<compile_context>
chip_gen: v7x
topology: tpu7x:2x2x1
jax: 0.10.2.dev20260603
libtpu: 0.0.44.dev20260713+nightly
codegen_flags: <defaults>
</compile_context>

<pallas_src>
import functools

import jax
import jax.numpy as jnp
from jax import lax
from jax.experimental import pallas as pl
from jax.experimental.pallas import tpu as pltpu
from jax.experimental.pallas import tpu_sc as plsc

D_MODEL = 64
D_VOCAB = 1000000
D_PAD = 128


_TBLK = 16384


_SUB = 128


def _transpose_body(w_ref, out_ref):
    w = w_ref[...]
    r = lax.broadcasted_iota(jnp.int32, (_SUB, _SUB), 0)
    c = lax.broadcasted_iota(jnp.int32, (_SUB, _SUB), 1)
    eye = (r == c).astype(jnp.float32)
    zeros = jnp.zeros((_TBLK, D_PAD - D_MODEL), jnp.float32)
    parts = []
    for j in range(_TBLK // _SUB):
        sub = w[:, j * _SUB:(j + 1) * _SUB]
        parts.append(lax.dot_general(
            eye, sub, (((1,), (1,)), ((), ())),
            precision=lax.Precision.HIGHEST,
            preferred_element_type=jnp.float32))
    out_ref[...] = jnp.concatenate(
        [jnp.concatenate(parts, axis=0), zeros], axis=1)


def _transpose_table(W_E):
    return pl.pallas_call(
        _transpose_body,
        grid=(pl.cdiv(D_VOCAB, _TBLK),),
        in_specs=[pl.BlockSpec((D_MODEL, _TBLK), lambda i: (0, i))],
        out_specs=pl.BlockSpec((_TBLK, D_PAD), lambda i: (i, 0)),
        out_shape=jax.ShapeDtypeStruct((D_VOCAB, D_PAD), jnp.float32),
    )(W_E)



_BB = 128
_NP = 200
_NBT = 32


def _make_gather():
    info = plsc.get_sparse_core_info()
    NW = info.num_cores * info.num_subcores
    n_units = _NP * _NBT
    u_per_w = n_units // NW
    idx_per_w = u_per_w * _BB
    mesh = plsc.VectorSubcoreMesh(core_axis_name="c", subcore_axis_name="s")

    @functools.partial(
        pl.kernel,
        mesh=mesh,
        compiler_params=pltpu.CompilerParams(use_tc_tiling_on_sc=True,
                                             needs_layout_passes=False),
        out_type=jax.ShapeDtypeStruct((_NP, 8, _NBT, 8, _BB), jnp.float32),
        scratch_types=[
            pltpu.VMEM((idx_per_w,), jnp.int32),
            pltpu.VMEM((_BB, D_PAD), jnp.float32),
            pltpu.VMEM((_BB, D_PAD), jnp.float32),
            pltpu.VMEM((8, 8, _BB + 1), jnp.float32),
            pltpu.VMEM((8, 8, _BB + 1), jnp.float32),
            pltpu.SemaphoreType.DMA,
            pltpu.SemaphoreType.DMA,
            pltpu.SemaphoreType.DMA,
            pltpu.SemaphoreType.DMA,
        ],
    )
    def gather_kernel(table_hbm, idx_hbm, out_hbm, idx_v, rows0, rows1,
                      t0, t1, gsem0, gsem1, wsem0, wsem1):
        wid = lax.axis_index("s") * info.num_cores + lax.axis_index("c")
        ubase = wid * u_per_w
        pltpu.sync_copy(idx_hbm.at[pl.ds(ubase * _BB, idx_per_w)], idx_v)

        def gstart(u_local, rows, gsem):
            pltpu.async_copy(
                table_hbm.at[idx_v.at[pl.ds(u_local * _BB, _BB)]], rows, gsem)

        def transpose_unit(rows, t):
            def b_body(b, carry):
                col = jnp.full((16,), b, jnp.int32)
                for k in range(D_MODEL // 16):
                    d = lax.iota(jnp.int32, 16) + 16 * k
                    v = rows[b, pl.ds(16 * k, 16)]
                    plsc.store_scatter(t, [d // 8, d % 8, col], v)
                return carry

            lax.fori_loop(0, _BB, b_body, 0)

        def wdst(u_local):
            u = ubase + u_local
            return out_hbm.at[u // _NBT, :, u % _NBT]

        def step(c, phase, rows, t, gsem, wsem):
            u_local = 2 * c + phase
            pltpu.make_async_copy(table_hbm.at[idx_v.at[pl.ds(0, _BB)]],
                                  rows, gsem).wait()

            @pl.when(c > 0)
            def _():
                pltpu.make_async_copy(
                    t.at[:, :, pl.ds(0, _BB)], wdst(0), wsem).wait()

            transpose_unit(rows, t)

            @pl.when(u_local + 2 < u_per_w)
            def _():
                gstart(u_local + 2, rows, gsem)

            pltpu.async_copy(t.at[:, :, pl.ds(0, _BB)], wdst(u_local), wsem)

        gstart(0, rows0, gsem0)
        gstart(1, rows1, gsem1)

        def body(c, carry):
            step(c, 0, rows0, t0, gsem0, wsem0)
            step(c, 1, rows1, t1, gsem1, wsem1)
            return carry

        lax.fori_loop(0, u_per_w // 2, body, 0)
        pltpu.make_async_copy(t0.at[:, :, pl.ds(0, _BB)], wdst(0), wsem0).wait()
        pltpu.make_async_copy(t1.at[:, :, pl.ds(0, _BB)], wdst(0), wsem1).wait()

    return gather_kernel


def kernel(x, W_E):
    b, p = x.shape
    W_T = _transpose_table(W_E)
    idx = jnp.swapaxes(x, 0, 1).reshape(-1).astype(jnp.int32)
    out_phys = _make_gather()(W_T, idx)
    return out_phys.transpose(2, 4, 0, 1, 3).reshape(b, p, D_MODEL)

# --- scband reference (transcript-rebuilt; emitter-appended) ---
"""Pipeline reference for scband-embed-21526376088122 (READ-ONLY COPY).

The authoritative reference and input builder live on the scoring server;
editing this copy changes nothing except your own understanding.
"""

import jax, jax.numpy as jnp
import numpy as np

d_vocab = 1000000
d_model = 64

def setup_inputs(seed: int = 0) -> dict:
    key = jax.random.key(seed)
    k1, k2 = jax.random.split(key)
    x = jax.random.randint(k1, (4096, 200), 0, d_vocab, dtype=jnp.int64 if jax.config.jax_enable_x64 else jnp.int32)
    W_E = jax.random.normal(k2, (d_model, d_vocab), dtype=jnp.float32) / np.sqrt(d_model)
    return {"x": x, "W_E": W_E}

def reference(x, W_E):
    # torch: einsum('dbp -> bpd', W_E[:, x])
    gathered = jnp.take(W_E, x, axis=1)  # [d_model, b, p]
    return jnp.transpose(gathered, (1, 2, 0))  # [b, p, d_model]

if __name__ == "__main__":
    import jax
    _d = setup_inputs()
    print(jax.jit(kernel)(*tuple(_d.values())))

</pallas_src>

<mosaic_0001>
#map = affine_map<(d0, d1) -> (0, 0)>
#map1 = affine_map<(d0, d1) -> (0)>
#map2 = affine_map<(d0, d1) -> (0, 0, 0, 0, 0)>
module attributes {stable_mosaic.version = 14 : i64} {
  func.func @gather_kernel(%arg0: i32, %arg1: i32, %arg2: memref<1000000x128xf32, #tpu.memory_space<hbm>>, %arg3: memref<819200xi32, #tpu.memory_space<hbm>>, %arg4: memref<200x8x32x8x128xf32, #tpu.memory_space<hbm>>, %arg5: memref<25600xi32, #tpu.memory_space<vmem>>, %arg6: memref<128x128xf32, #tpu.memory_space<vmem>>, %arg7: memref<128x128xf32, #tpu.memory_space<vmem>>, %arg8: memref<8x8x129xf32, #tpu.memory_space<vmem>>, %arg9: memref<8x8x129xf32, #tpu.memory_space<vmem>>, %arg10: memref<!tpu.dma_semaphore, #tpu.memory_space<semaphore_mem>>, %arg11: memref<!tpu.dma_semaphore, #tpu.memory_space<semaphore_mem>>, %arg12: memref<!tpu.dma_semaphore, #tpu.memory_space<semaphore_mem>>, %arg13: memref<!tpu.dma_semaphore, #tpu.memory_space<semaphore_mem>>) attributes {dimension_semantics = [#tpu.dimension_semantics<core_parallel>, #tpu.dimension_semantics<subcore_parallel>], iteration_bounds = array<i64: 2, 16>, scalar_prefetch = 0 : i64, scratch_operands = 9 : i64, tpu.core_type = #tpu.core_type<sc_vector_subcore>, window_params = [{transform_indices = #map}, {transform_indices = #map1}, {transform_indices = #map2}]} {
    %mul3A = arith.constant 2 : i32
    %mul3A_0 = arith.muli %arg1, %mul3A : i32
    %add3A = arith.addi %mul3A_0, %arg0 : i32
    %mul3A_1 = arith.constant 200 : i32
    %mul3A_2 = arith.muli %add3A, %mul3A_1 : i32
    %mul3A_3 = arith.constant 128 : i32
    %mul3A_4 = arith.muli %mul3A_2, %mul3A_3 : i32
    "tpu.region"() ({
      %run_scoped3A = tpu.sem_alloc : memref<!tpu.dma_semaphore, #tpu.memory_space<semaphore_mem>>
      %dma_start3A_128 = tpu.memref_slice %arg3[%mul3A_4] : memref<819200xi32, #tpu.memory_space<hbm>> -> memref<25600xi32, #tpu.memory_space<hbm>>
      %dma_start3A_129 = tpu.memref_slice %arg3[%mul3A_4] : memref<819200xi32, #tpu.memory_space<hbm>> -> memref<25600xi32, #tpu.memory_space<hbm>>
      tpu.enqueue_dma source(%dma_start3A_129 : memref<25600xi32, #tpu.memory_space<hbm>>) target(%arg5 : memref<25600xi32, #tpu.memory_space<vmem>>) target_semaphore(%run_scoped3A : memref<!tpu.dma_semaphore, #tpu.memory_space<semaphore_mem>>)
      %dma_wait3A_130 = tpu.memref_slice %arg3[%mul3A_4] : memref<819200xi32, #tpu.memory_space<hbm>> -> memref<25600xi32, #tpu.memory_space<hbm>>
      %dma_wait3A_131 = tpu.memref_slice %arg3[%mul3A_4] : memref<819200xi32, #tpu.memory_space<hbm>> -> memref<25600xi32, #tpu.memory_space<hbm>>
      tpu.wait_dma2 semaphore(%run_scoped3A : memref<!tpu.dma_semaphore, #tpu.memory_space<semaphore_mem>>) src(%dma_wait3A_131 : memref<25600xi32, #tpu.memory_space<hbm>>) dst(%arg5 : memref<25600xi32, #tpu.memory_space<vmem>>)
      tpu.yield
    }) : () -> ()
    %dma_start3A = arith.constant 0 : i32
    %dma_start3A_5 = tpu.memref_slice %arg5[%dma_start3A] : memref<25600xi32, #tpu.memory_space<vmem>> -> memref<128xi32, #tpu.memory_space<vmem>>
    %dma_start3A_6 = arith.constant 0 : i32
    %dma_start3A_7 = arith.constant 0 : i32
    %dma_start3A_8 = tpu.memref_slice %arg2[%dma_start3A_6, %dma_start3A_7] : memref<1000000x128xf32, #tpu.memory_space<hbm>> -> memref<1000000x128xf32, #tpu.memory_space<hbm>>
    tpu.enqueue_indirect_dma source(%dma_start3A_8 : memref<1000000x128xf32, #tpu.memory_space<hbm>>) target(%arg6 : memref<128x128xf32, #tpu.memory_space<vmem>>) offsets(%dma_start3A_5 : memref<128xi32, #tpu.memory_space<vmem>>) semaphore(%arg10 : memref<!tpu.dma_semaphore, #tpu.memory_space<semaphore_mem>>)
    %dma_start3A_9 = arith.constant 128 : i32
    %dma_start3A_10 = tpu.memref_slice %arg5[%dma_start3A_9] : memref<25600xi32, #tpu.memory_space<vmem>> -> memref<128xi32, #tpu.memory_space<vmem>>
    %dma_start3A_11 = arith.constant 0 : i32
    %dma_start3A_12 = arith.constant 0 : i32
    %dma_start3A_13 = tpu.memref_slice %arg2[%dma_start3A_11, %dma_start3A_12] : memref<1000000x128xf32, #tpu.memory_space<hbm>> -> memref<1000000x128xf32, #tpu.memory_space<hbm>>
    tpu.enqueue_indirect_dma source(%dma_start3A_13 : memref<1000000x128xf32, #tpu.memory_space<hbm>>) target(%arg7 : memref<128x128xf32, #tpu.memory_space<vmem>>) offsets(%dma_start3A_10 : memref<128xi32, #tpu.memory_space<vmem>>) semaphore(%arg11 : memref<!tpu.dma_semaphore, #tpu.memory_space<semaphore_mem>>)
    %scan3A = arith.constant 0 : i32
    %scan3A_14 = arith.constant 0 : i32
    %scan3A_15 = arith.constant 100 : i32
    %scan3A_16 = arith.addi %scan3A_14, %scan3A_15 : i32
    %scan3A_17 = arith.constant 1 : i32
    scf.for %scan3A_128 = %scan3A_14 to %scan3A_16 step %scan3A_17  : i32 {
      %mul3A_129 = arith.constant 2 : i32
      %mul3A_130 = arith.muli %mul3A_129, %scan3A_128 : i32
      %add3A_131 = arith.constant 0 : i32
      %add3A_132 = arith.addi %mul3A_130, %add3A_131 : i32
      %dma_wait3A_133 = arith.constant 0 : i32
      %dma_wait3A_134 = tpu.memref_slice %arg5[%dma_wait3A_133] : memref<25600xi32, #tpu.memory_space<vmem>> -> memref<128xi32, #tpu.memory_space<vmem>>
      %dma_wait3A_135 = arith.constant 0 : i32
      %dma_wait3A_136 = arith.constant 0 : i32
      %dma_wait3A_137 = tpu.memref_slice %arg2[%dma_wait3A_135, %dma_wait3A_136] : memref<1000000x128xf32, #tpu.memory_space<hbm>> -> memref<1000000x128xf32, #tpu.memory_space<hbm>>
      tpu.wait_indirect_dma semaphore(%arg10 : memref<!tpu.dma_semaphore, #tpu.memory_space<semaphore_mem>>) src(%dma_wait3A_137 : memref<1000000x128xf32, #tpu.memory_space<hbm>>) dst(%arg6 : memref<128x128xf32, #tpu.memory_space<vmem>>)
      %gt3A = arith.constant 0 : i32
      %gt3A_138 = arith.cmpi sgt, %scan3A_128, %gt3A : i32
      %convert_element_type3A = arith.extui %gt3A_138 : i1 to i32
      %cond3A = arith.constant 0 : i32
      %cond3A_139 = arith.cmpi ne, %convert_element_type3A, %cond3A : i32
      scf.if %cond3A_139 {
        %add3A_298 = arith.constant 0 : i32
        %add3A_299 = arith.addi %mul3A_2, %add3A_298 : i32
        %jit3A_300 = arith.constant 32 : i32
        %div3A_301 = arith.divsi %add3A_299, %jit3A_300 : i32
        %sign3A_302 = arith.constant 0 : i32
        %sign3A_303 = arith.cmpi sgt, %add3A_299, %sign3A_302 : i32
        %sign3A_304 = arith.extui %sign3A_303 : i1 to i32
        %sign3A_305 = arith.constant 0 : i32
        %sign3A_306 = arith.cmpi slt, %add3A_299, %sign3A_305 : i32
        %sign3A_307 = arith.extui %sign3A_306 : i1 to i32
        %sign3A_308 = arith.subi %sign3A_304, %sign3A_307 : i32
        %sign3A_309 = arith.constant 0 : i32
        %sign3A_310 = arith.cmpi sgt, %jit3A_300, %sign3A_309 : i32
        %sign3A_311 = arith.extui %sign3A_310 : i1 to i32
        %sign3A_312 = arith.constant 0 : i32
        %sign3A_313 = arith.cmpi slt, %jit3A_300, %sign3A_312 : i32
        %sign3A_314 = arith.extui %sign3A_313 : i1 to i32
        %sign3A_315 = arith.subi %sign3A_311, %sign3A_314 : i32
        %ne3A_316 = arith.cmpi ne, %sign3A_308, %sign3A_315 : i32
        %rem3A_317 = arith.remsi %add3A_299, %jit3A_300 : i32
        %ne3A_318 = arith.constant 0 : i32
        %ne3A_319 = arith.cmpi ne, %rem3A_317, %ne3A_318 : i32
        %and3A_320 = arith.andi %ne3A_316, %ne3A_319 : i1
        %sub3A_321 = arith.constant 1 : i32
        %sub3A_322 = arith.subi %div3A_301, %sub3A_321 : i32
        %select_n3A_323 = arith.select %and3A_320, %sub3A_322, %div3A_301 : i32
        %jit3A_324 = arith.constant 32 : i32
        %eq3A_325 = arith.constant 0 : i32
        %eq3A_326 = arith.cmpi eq, %jit3A_324, %eq3A_325 : i32
        %jit3A_327 = arith.constant 1 : i32
        %select_n3A_328 = arith.select %eq3A_326, %jit3A_327, %jit3A_324 : i32
        %rem3A_329 = arith.remsi %add3A_299, %select_n3A_328 : i32
        %ne3A_330 = arith.constant 0 : i32
        %ne3A_331 = arith.cmpi ne, %rem3A_329, %ne3A_330 : i32
        %lt3A_332 = arith.constant 0 : i32
        %lt3A_333 = arith.cmpi slt, %rem3A_329, %lt3A_332 : i32
        %lt3A_334 = arith.constant 0 : i32
        %lt3A_335 = arith.cmpi slt, %select_n3A_328, %lt3A_334 : i32
        %ne3A_336 = arith.xori %lt3A_333, %lt3A_335 : i1
        %and3A_337 = arith.andi %ne3A_336, %ne3A_331 : i1
        %add3A_338 = arith.addi %rem3A_329, %select_n3A_328 : i32
        %select_n3A_339 = arith.select %and3A_337, %add3A_338, %rem3A_329 : i32
        %dma_wait3A_340 = arith.constant 0 : i32
        %dma_wait3A_341 = arith.constant 0 : i32
        %dma_wait3A_342 = arith.constant 0 : i32
        %dma_wait3A_343 = tpu.memref_slice %arg8[%dma_wait3A_340, %dma_wait3A_341, %dma_wait3A_342] : memref<8x8x129xf32, #tpu.memory_space<vmem>> -> memref<8x8x128xf32, #tpu.memory_space<vmem>>
        %dma_wait3A_344 = arith.constant 0 : i32
        %dma_wait3A_345 = arith.constant 0 : i32
        %dma_wait3A_346 = arith.constant 0 : i32
        %dma_wait3A_347 = tpu.memref_slice %arg4[%select_n3A_323, %dma_wait3A_344, %select_n3A_339, %dma_wait3A_345, %dma_wait3A_346] : memref<200x8x32x8x128xf32, #tpu.memory_space<hbm>> -> memref<1x8x1x8x128xf32, #tpu.memory_space<hbm>>
        %dma_wait3A_348 = tpu.memref_squeeze %dma_wait3A_347 : memref<1x8x1x8x128xf32, #tpu.memory_space<hbm>> -> memref<8x8x128xf32, #tpu.memory_space<hbm>>
        %dma_wait3A_349 = arith.constant 0 : i32
        %dma_wait3A_350 = arith.constant 0 : i32
        %dma_wait3A_351 = arith.constant 0 : i32
        %dma_wait3A_352 = tpu.memref_slice %arg4[%select_n3A_323, %dma_wait3A_349, %select_n3A_339, %dma_wait3A_350, %dma_wait3A_351] : memref<200x8x32x8x128xf32, #tpu.memory_space<hbm>> -> memref<1x8x1x8x128xf32, #tpu.memory_space<hbm>>
        %dma_wait3A_353 = tpu.memref_squeeze %dma_wait3A_352 : memref<1x8x1x8x128xf32, #tpu.memory_space<hbm>> -> memref<8x8x128xf32, #tpu.memory_space<hbm>>
        %dma_wait3A_354 = arith.constant 0 : i32
        %dma_wait3A_355 = arith.constant 0 : i32
        %dma_wait3A_356 = arith.constant 0 : i32
        %dma_wait3A_357 = tpu.memref_slice %arg8[%dma_wait3A_354, %dma_wait3A_355, %dma_wait3A_356] : memref<8x8x129xf32, #tpu.memory_space<vmem>> -> memref<8x8x128xf32, #tpu.memory_space<vmem>>
        tpu.wait_dma2 semaphore(%arg12 : memref<!tpu.dma_semaphore, #tpu.memory_space<semaphore_mem>>) src(%dma_wait3A_357 : memref<8x8x128xf32, #tpu.memory_space<vmem>>) dst(%dma_wait3A_353 : memref<8x8x128xf32, #tpu.memory_space<hbm>>)
      } else {
      }
      %scan3A_140 = arith.constant 0 : i32
      %scan3A_141 = arith.constant 0 : i32
      %scan3A_142 = arith.constant 128 : i32
      %scan3A_143 = arith.addi %scan3A_141, %scan3A_142 : i32
      %scan3A_144 = arith.constant 1 : i32
      scf.for %scan3A_298 = %scan3A_141 to %scan3A_143 step %scan3A_144  : i32 {
        %broadcast_in_dim3A = vector.broadcast %scan3A_298 : i32 to vector<16xi32>
        %iota3A = tpu.iota {dimensions = array<i32: 0>} : vector<16xi32>
        %add3A_299 = arith.constant 0 : i32
        %add3A_300 = vector.broadcast %add3A_299 : i32 to vector<16xi32>
        %add3A_301 = arith.addi %iota3A, %add3A_300 : vector<16xi32>
        %get3A = arith.index_cast %scan3A_298 : i32 to index
        %get3A_302 = arith.constant 0 : index
        %get3A_303 = tpu.vector_load %arg6[%get3A, %get3A_302] {strides = array<i32>} : memref<128x128xf32, #tpu.memory_space<vmem>>, vector<16xf32>,
        %jit3A_304 = arith.constant 8 : i32
        %div3A_305 = vector.broadcast %jit3A_304 : i32 to vector<16xi32>
        %div3A_306 = arith.divsi %add3A_301, %div3A_305 : vector<16xi32>
        %sign3A_307 = arith.constant 0 : i32
        %sign3A_308 = vector.broadcast %sign3A_307 : i32 to vector<16xi32>
        %sign3A_309 = arith.cmpi sgt, %add3A_301, %sign3A_308 : vector<16xi32>
        %sign3A_310 = arith.extui %sign3A_309 : vector<16xi1> to vector<16xi32>
        %sign3A_311 = arith.constant 0 : i32
        %sign3A_312 = vector.broadcast %sign3A_311 : i32 to vector<16xi32>
        %sign3A_313 = arith.cmpi slt, %add3A_301, %sign3A_312 : vector<16xi32>
        %sign3A_314 = arith.extui %sign3A_313 : vector<16xi1> to vector<16xi32>
        %sign3A_315 = arith.subi %sign3A_310, %sign3A_314 : vector<16xi32>
        %sign3A_316 = arith.constant 0 : i32
        %sign3A_317 = arith.cmpi sgt, %jit3A_304, %sign3A_316 : i32
        %sign3A_318 = arith.extui %sign3A_317 : i1 to i32
        %sign3A_319 = arith.constant 0 : i32
        %sign3A_320 = arith.cmpi slt, %jit3A_304, %sign3A_319 : i32
        %sign3A_321 = arith.extui %sign3A_320 : i1 to i32
        %sign3A_322 = arith.subi %sign3A_318, %sign3A_321 : i32
        %ne3A_323 = vector.broadcast %sign3A_322 : i32 to vector<16xi32>
        %ne3A_324 = arith.cmpi ne, %sign3A_315, %ne3A_323 : vector<16xi32>
        %rem3A_325 = vector.broadcast %jit3A_304 : i32 to vector<16xi32>
        %rem3A_326 = arith.remsi %add3A_301, %rem3A_325 : vector<16xi32>
        %ne3A_327 = arith.constant 0 : i32
        %ne3A_328 = vector.broadcast %ne3A_327 : i32 to vector<16xi32>
        %ne3A_329 = arith.cmpi ne, %rem3A_326, %ne3A_328 : vector<16xi32>
        %and3A_330 = arith.andi %ne3A_324, %ne3A_329 : vector<16xi1>
        %sub3A_331 = arith.constant 1 : i32
        %sub3A_332 = vector.broadcast %sub3A_331 : i32 to vector<16xi32>
        %sub3A_333 = arith.subi %div3A_306, %sub3A_332 : vector<16xi32>
        %select_n3A_334 = arith.select %and3A_330, %sub3A_333, %div3A_306 : vector<16xi1>, vector<16xi32>
        %jit3A_335 = arith.constant 8 : i32
        %eq3A_336 = arith.constant 0 : i32
        %eq3A_337 = arith.cmpi eq, %jit3A_335, %eq3A_336 : i32
        %jit3A_338 = arith.constant 1 : i32
        %select_n3A_339 = arith.select %eq3A_337, %jit3A_338, %jit3A_335 : i32
        %rem3A_340 = vector.broadcast %select_n3A_339 : i32 to vector<16xi32>
        %rem3A_341 = arith.remsi %add3A_301, %rem3A_340 : vector<16xi32>
        %ne3A_342 = arith.constant 0 : i32
        %ne3A_343 = vector.broadcast %ne3A_342 : i32 to vector<16xi32>
        %ne3A_344 = arith.cmpi ne, %rem3A_341, %ne3A_343 : vector<16xi32>
        %lt3A_345 = arith.constant 0 : i32
        %lt3A_346 = vector.broadcast %lt3A_345 : i32 to vector<16xi32>
        %lt3A_347 = arith.cmpi slt, %rem3A_341, %lt3A_346 : vector<16xi32>
        %lt3A_348 = arith.constant 0 : i32
        %lt3A_349 = arith.cmpi slt, %select_n3A_339, %lt3A_348 : i32
        %ne3A_350 = vector.broadcast %lt3A_349 : i1 to vector<16xi1>
        %ne3A_351 = vector.broadcast %ne3A_350 : vector<16xi1> to vector<16xi1>
        %ne3A_352 = arith.xori %lt3A_347, %ne3A_351 : vector<16xi1>
        %and3A_353 = arith.andi %ne3A_352, %ne3A_344 : vector<16xi1>
        %add3A_354 = vector.broadcast %select_n3A_339 : i32 to vector<16xi32>
        %add3A_355 = arith.addi %rem3A_341, %add3A_354 : vector<16xi32>
        %select_n3A_356 = arith.select %and3A_353, %add3A_355, %rem3A_341 : vector<16xi1>, vector<16xi32>
        tpu.vector_store_idx %arg8[%select_n3A_334, %select_n3A_356, %broadcast_in_dim3A], %get3A_303 : memref<8x8x129xf32, #tpu.memory_space<vmem>>[vector<16xi32>, vector<16xi32>, vector<16xi32>], vector<16xf32>,
        %iota3A_357 = tpu.iota {dimensions = array<i32: 0>} : vector<16xi32>
        %add3A_358 = arith.constant 16 : i32
        %add3A_359 = vector.broadcast %add3A_358 : i32 to vector<16xi32>
        %add3A_360 = arith.addi %iota3A_357, %add3A_359 : vector<16xi32>
        %get3A_361 = arith.index_cast %scan3A_298 : i32 to index
        %get3A_362 = arith.constant 16 : index
        %get3A_363 = tpu.vector_load %arg6[%get3A_361, %get3A_362] {strides = array<i32>} : memref<128x128xf32, #tpu.memory_space<vmem>>, vector<16xf32>,
        %jit3A_364 = arith.constant 8 : i32
        %div3A_365 = vector.broadcast %jit3A_364 : i32 to vector<16xi32>
        %div3A_366 = arith.divsi %add3A_360, %div3A_365 : vector<16xi32>
        %sign3A_367 = arith.constant 0 : i32
        %sign3A_368 = vector.broadcast %sign3A_367 : i32 to vector<16xi32>
        %sign3A_369 = arith.cmpi sgt, %add3A_360, %sign3A_368 : vector<16xi32>
        %sign3A_370 = arith.extui %sign3A_369 : vector<16xi1> to vector<16xi32>
        %sign3A_371 = arith.constant 0 : i32
        %sign3A_372 = vector.broadcast %sign3A_371 : i32 to vector<16xi32>
        %sign3A_373 = arith.cmpi slt, %add3A_360, %sign3A_372 : vector<16xi32>
        %sign3A_374 = arith.extui %sign3A_373 : vector<16xi1> to vector<16xi32>
        %sign3A_375 = arith.subi %sign3A_370, %sign3A_374 : vector<16xi32>
        %sign3A_376 = arith.constant 0 : i32
        %sign3A_377 = arith.cmpi sgt, %jit3A_364, %sign3A_376 : i32
        %sign3A_378 = arith.extui %sign3A_377 : i1 to i32
        %sign3A_379 = arith.constant 0 : i32
        %sign3A_380 = arith.cmpi slt, %jit3A_364, %sign3A_379 : i32
        %sign3A_381 = arith.extui %sign3A_380 : i1 to i32
        %sign3A_382 = arith.subi %sign3A_378, %sign3A_381 : i32
        %ne3A_383 = vector.broadcast %sign3A_382 : i32 to vector<16xi32>
        %ne3A_384 = arith.cmpi ne, %sign3A_375, %ne3A_383 : vector<16xi32>
        %rem3A_385 = vector.broadcast %jit3A_364 : i32 to vector<16xi32>
        %rem3A_386 = arith.remsi %add3A_360, %rem3A_385 : vector<16xi32>
        %ne3A_387 = arith.constant 0 : i32
        %ne3A_388 = vector.broadcast %ne3A_387 : i32 to vector<16xi32>
        %ne3A_389 = arith.cmpi ne, %rem3A_386, %ne3A_388 : vector<16xi32>
        %and3A_390 = arith.andi %ne3A_384, %ne3A_389 : vector<16xi1>
        %sub3A_391 = arith.constant 1 : i32
        %sub3A_392 = vector.broadcast %sub3A_391 : i32 to vector<16xi32>
        %sub3A_393 = arith.subi %div3A_366, %sub3A_392 : vector<16xi32>
        %select_n3A_394 = arith.select %and3A_390, %sub3A_393, %div3A_366 : vector<16xi1>, vector<16xi32>
        %jit3A_395 = arith.constant 8 : i32
        %eq3A_396 = arith.constant 0 : i32
        %eq3A_397 = arith.cmpi eq, %jit3A_395, %eq3A_396 : i32
        %jit3A_398 = arith.constant 1 : i32
        %select_n3A_399 = arith.select %eq3A_397, %jit3A_398, %jit3A_395 : i32
        %rem3A_400 = vector.broadcast %select_n3A_399 : i32 to vector<16xi32>
        %rem3A_401 = arith.remsi %add3A_360, %rem3A_400 : vector<16xi32>
        %ne3A_402 = arith.constant 0 : i32
        %ne3A_403 = vector.broadcast %ne3A_402 : i32 to vector<16xi32>
        %ne3A_404 = arith.cmpi ne, %rem3A_401, %ne3A_403 : vector<16xi32>
        %lt3A_405 = arith.constant 0 : i32
        %lt3A_406 = vector.broadcast %lt3A_405 : i32 to vector<16xi32>
        %lt3A_407 = arith.cmpi slt, %rem3A_401, %lt3A_406 : vector<16xi32>
        %lt3A_408 = arith.constant 0 : i32
        %lt3A_409 = arith.cmpi slt, %select_n3A_399, %lt3A_408 : i32
        %ne3A_410 = vector.broadcast %lt3A_409 : i1 to vector<16xi1>
        %ne3A_411 = vector.broadcast %ne3A_410 : vector<16xi1> to vector<16xi1>
        %ne3A_412 = arith.xori %lt3A_407, %ne3A_411 : vector<16xi1>
        %and3A_413 = arith.andi %ne3A_412, %ne3A_404 : vector<16xi1>
        %add3A_414 = vector.broadcast %select_n3A_399 : i32 to vector<16xi32>
        %add3A_415 = arith.addi %rem3A_401, %add3A_414 : vector<16xi32>
        %select_n3A_416 = arith.select %and3A_413, %add3A_415, %rem3A_401 : vector<16xi1>, vector<16xi32>
        tpu.vector_store_idx %arg8[%select_n3A_394, %select_n3A_416, %broadcast_in_dim3A], %get3A_363 : memref<8x8x129xf32, #tpu.memory_space<vmem>>[vector<16xi32>, vector<16xi32>, vector<16xi32>], vector<16xf32>,
        %iota3A_417 = tpu.iota {dimensions = array<i32: 0>} : vector<16xi32>
        %add3A_418 = arith.constant 32 : i32
        %add3A_419 = vector.broadcast %add3A_418 : i32 to vector<16xi32>
        %add3A_420 = arith.addi %iota3A_417, %add3A_419 : vector<16xi32>
        %get3A_421 = arith.index_cast %scan3A_298 : i32 to index
        %get3A_422 = arith.constant 32 : index
        %get3A_423 = tpu.vector_load %arg6[%get3A_421, %get3A_422] {strides = array<i32>} : memref<128x128xf32, #tpu.memory_space<vmem>>, vector<16xf32>,
        %jit3A_424 = arith.constant 8 : i32
        %div3A_425 = vector.broadcast %jit3A_424 : i32 to vector<16xi32>
        %div3A_426 = arith.divsi %add3A_420, %div3A_425 : vector<16xi32>
        %sign3A_427 = arith.constant 0 : i32
        %sign3A_428 = vector.broadcast %sign3A_427 : i32 to vector<16xi32>
        %sign3A_429 = arith.cmpi sgt, %add3A_420, %sign3A_428 : vector<16xi32>
        %sign3A_430 = arith.extui %sign3A_429 : vector<16xi1> to vector<16xi32>
        %sign3A_431 = arith.constant 0 : i32
        %sign3A_432 = vector.broadcast %sign3A_431 : i32 to vector<16xi32>
        %sign3A_433 = arith.cmpi slt, %add3A_420, %sign3A_432 : vector<16xi32>
        %sign3A_434 = arith.extui %sign3A_433 : vector<16xi1> to vector<16xi32>
        %sign3A_435 = arith.subi %sign3A_430, %sign3A_434 : vector<16xi32>
        %sign3A_436 = arith.constant 0 : i32
        %sign3A_437 = arith.cmpi sgt, %jit3A_424, %sign3A_436 : i32
        %sign3A_438 = arith.extui %sign3A_437 : i1 to i32
        %sign3A_439 = arith.constant 0 : i32
        %sign3A_440 = arith.cmpi slt, %jit3A_424, %sign3A_439 : i32
        %sign3A_441 = arith.extui %sign3A_440 : i1 to i32
        %sign3A_442 = arith.subi %sign3A_438, %sign3A_441 : i32
        %ne3A_443 = vector.broadcast %sign3A_442 : i32 to vector<16xi32>
        %ne3A_444 = arith.cmpi ne, %sign3A_435, %ne3A_443 : vector<16xi32>
        %rem3A_445 = vector.broadcast %jit3A_424 : i32 to vector<16xi32>
        %rem3A_446 = arith.remsi %add3A_420, %rem3A_445 : vector<16xi32>
        %ne3A_447 = arith.constant 0 : i32
        %ne3A_448 = vector.broadcast %ne3A_447 : i32 to vector<16xi32>
        %ne3A_449 = arith.cmpi ne, %rem3A_446, %ne3A_448 : vector<16xi32>
        %and3A_450 = arith.andi %ne3A_444, %ne3A_449 : vector<16xi1>
        %sub3A_451 = arith.constant 1 : i32
        %sub3A_452 = vector.broadcast %sub3A_451 : i32 to vector<16xi32>
        %sub3A_453 = arith.subi %div3A_426, %sub3A_452 : vector<16xi32>
        %select_n3A_454 = arith.select %and3A_450, %sub3A_453, %div3A_426 : vector<16xi1>, vector<16xi32>
        %jit3A_455 = arith.constant 8 : i32
        %eq3A_456 = arith.constant 0 : i32
        %eq3A_457 = arith.cmpi eq, %jit3A_455, %eq3A_456 : i32
        %jit3A_458 = arith.constant 1 : i32
        %select_n3A_459 = arith.select %eq3A_457, %jit3A_458, %jit3A_455 : i32
        %rem3A_460 = vector.broadcast %select_n3A_459 : i32 to vector<16xi32>
        %rem3A_461 = arith.remsi %add3A_420, %rem3A_460 : vector<16xi32>
        %ne3A_462 = arith.constant 0 : i32
        %ne3A_463 = vector.broadcast %ne3A_462 : i32 to vector<16xi32>
        %ne3A_464 = arith.cmpi ne, %rem3A_461, %ne3A_463 : vector<16xi32>
        %lt3A_465 = arith.constant 0 : i32
        %lt3A_466 = vector.broadcast %lt3A_465 : i32 to vector<16xi32>
        %lt3A_467 = arith.cmpi slt, %rem3A_461, %lt3A_466 : vector<16xi32>
        %lt3A_468 = arith.constant 0 : i32
        %lt3A_469 = arith.cmpi slt, %select_n3A_459, %lt3A_468 : i32
        %ne3A_470 = vector.broadcast %lt3A_469 : i1 to vector<16xi1>
        %ne3A_471 = vector.broadcast %ne3A_470 : vector<16xi1> to vector<16xi1>
        %ne3A_472 = arith.xori %lt3A_467, %ne3A_471 : vector<16xi1>
        %and3A_473 = arith.andi %ne3A_472, %ne3A_464 : vector<16xi1>
        %add3A_474 = vector.broadcast %select_n3A_459 : i32 to vector<16xi32>
        %add3A_475 = arith.addi %rem3A_461, %add3A_474 : vector<16xi32>
        %select_n3A_476 = arith.select %and3A_473, %add3A_475, %rem3A_461 : vector<16xi1>, vector<16xi32>
        tpu.vector_store_idx %arg8[%select_n3A_454, %select_n3A_476, %broadcast_in_dim3A], %get3A_423 : memref<8x8x129xf32, #tpu.memory_space<vmem>>[vector<16xi32>, vector<16xi32>, vector<16xi32>], vector<16xf32>,
        %iota3A_477 = tpu.iota {dimensions = array<i32: 0>} : vector<16xi32>
        %add3A_478 = arith.constant 48 : i32
        %add3A_479 = vector.broadcast %add3A_478 : i32 to vector<16xi32>
        %add3A_480 = arith.addi %iota3A_477, %add3A_479 : vector<16xi32>
        %get3A_481 = arith.index_cast %scan3A_298 : i32 to index
        %get3A_482 = arith.constant 48 : index
        %get3A_483 = tpu.vector_load %arg6[%get3A_481, %get3A_482] {strides = array<i32>} : memref<128x128xf32, #tpu.memory_space<vmem>>, vector<16xf32>,
        %jit3A_484 = arith.constant 8 : i32
        %div3A_485 = vector.broadcast %jit3A_484 : i32 to vector<16xi32>
        %div3A_486 = arith.divsi %add3A_480, %div3A_485 : vector<16xi32>
        %sign3A_487 = arith.constant 0 : i32
        %sign3A_488 = vector.broadcast %sign3A_487 : i32 to vector<16xi32>
        %sign3A_489 = arith.cmpi sgt, %add3A_480, %sign3A_488 : vector<16xi32>
        %sign3A_490 = arith.extui %sign3A_489 : vector<16xi1> to vector<16xi32>
        %sign3A_491 = arith.constant 0 : i32
        %sign3A_492 = vector.broadcast %sign3A_491 : i32 to vector<16xi32>
        %sign3A_493 = arith.cmpi slt, %add3A_480, %sign3A_492 : vector<16xi32>
        %sign3A_494 = arith.extui %sign3A_493 : vector<16xi1> to vector<16xi32>
        %sign3A_495 = arith.subi %sign3A_490, %sign3A_494 : vector<16xi32>
        %sign3A_496 = arith.constant 0 : i32
        %sign3A_497 = arith.cmpi sgt, %jit3A_484, %sign3A_496 : i32
        %sign3A_498 = arith.extui %sign3A_497 : i1 to i32
        %sign3A_499 = arith.constant 0 : i32
        %sign3A_500 = arith.cmpi slt, %jit3A_484, %sign3A_499 : i32
        %sign3A_501 = arith.extui %sign3A_500 : i1 to i32
        %sign3A_502 = arith.subi %sign3A_498, %sign3A_501 : i32
        %ne3A_503 = vector.broadcast %sign3A_502 : i32 to vector<16xi32>
        %ne3A_504 = arith.cmpi ne, %sign3A_495, %ne3A_503 : vector<16xi32>
        %rem3A_505 = vector.broadcast %jit3A_484 : i32 to vector<16xi32>
        %rem3A_506 = arith.remsi %add3A_480, %rem3A_505 : vector<16xi32>
        %ne3A_507 = arith.constant 0 : i32
        %ne3A_508 = vector.broadcast %ne3A_507 : i32 to vector<16xi32>
        %ne3A_509 = arith.cmpi ne, %rem3A_506, %ne3A_508 : vector<16xi32>
        %and3A_510 = arith.andi %ne3A_504, %ne3A_509 : vector<16xi1>
        %sub3A_511 = arith.constant 1 : i32
        %sub3A_512 = vector.broadcast %sub3A_511 : i32 to vector<16xi32>
        %sub3A_513 = arith.subi %div3A_486, %sub3A_512 : vector<16xi32>
        %select_n3A_514 = arith.select %and3A_510, %sub3A_513, %div3A_486 : vector<16xi1>, vector<16xi32>
        %jit3A_515 = arith.constant 8 : i32
        %eq3A_516 = arith.constant 0 : i32
        %eq3A_517 = arith.cmpi eq, %jit3A_515, %eq3A_516 : i32
        %jit3A_518 = arith.constant 1 : i32
        %select_n3A_519 = arith.select %eq3A_517, %jit3A_518, %jit3A_515 : i32
        %rem3A_520 = vector.broadcast %select_n3A_519 : i32 to vector<16xi32>
        %rem3A_521 = arith.remsi %add3A_480, %rem3A_520 : vector<16xi32>
        %ne3A_522 = arith.constant 0 : i32
        %ne3A_523 = vector.broadcast %ne3A_522 : i32 to vector<16xi32>
        %ne3A_524 = arith.cmpi ne, %rem3A_521, %ne3A_523 : vector<16xi32>
        %lt3A_525 = arith.constant 0 : i32
        %lt3A_526 = vector.broadcast %lt3A_525 : i32 to vector<16xi32>
        %lt3A_527 = arith.cmpi slt, %rem3A_521, %lt3A_526 : vector<16xi32>
        %lt3A_528 = arith.constant 0 : i32
        %lt3A_529 = arith.cmpi slt, %select_n3A_519, %lt3A_528 : i32
        %ne3A_530 = vector.broadcast %lt3A_529 : i1 to vector<16xi1>
        %ne3A_531 = vector.broadcast %ne3A_530 : vector<16xi1> to vector<16xi1>
        %ne3A_532 = arith.xori %lt3A_527, %ne3A_531 : vector<16xi1>
        %and3A_533 = arith.andi %ne3A_532, %ne3A_524 : vector<16xi1>
        %add3A_534 = vector.broadcast %select_n3A_519 : i32 to vector<16xi32>
        %add3A_535 = arith.addi %rem3A_521, %add3A_534 : vector<16xi32>
        %select_n3A_536 = arith.select %and3A_533, %add3A_535, %rem3A_521 : vector<16xi1>, vector<16xi32>
        tpu.vector_store_idx %arg8[%select_n3A_514, %select_n3A_536, %broadcast_in_dim3A], %get3A_483 : memref<8x8x129xf32, #tpu.memory_space<vmem>>[vector<16xi32>, vector<16xi32>, vector<16xi32>], vector<16xf32>,
      }
      %scan3A_145 = arith.constant 128 : i32
      %add3A_146 = arith.constant 2 : i32
      %add3A_147 = arith.addi %add3A_132, %add3A_146 : i32
      %lt3A_148 = arith.constant 200 : i32
      %lt3A_149 = arith.cmpi slt, %add3A_147, %lt3A_148 : i32
      %convert_element_type3A_150 = arith.extui %lt3A_149 : i1 to i32
      %cond3A_151 = arith.constant 0 : i32
      %cond3A_152 = arith.cmpi ne, %convert_element_type3A_150, %cond3A_151 : i32
      scf.if %cond3A_152 {
        %add3A_298 = arith.constant 2 : i32
        %add3A_299 = arith.addi %add3A_132, %add3A_298 : i32
        %mul3A_300 = arith.constant 128 : i32
        %mul3A_301 = arith.muli %add3A_299, %mul3A_300 : i32
        %dma_start3A_302 = tpu.memref_slice %arg5[%mul3A_301] : memref<25600xi32, #tpu.memory_space<vmem>> -> memref<128xi32, #tpu.memory_space<vmem>>
        %dma_start3A_303 = arith.constant 0 : i32
        %dma_start3A_304 = arith.constant 0 : i32
        %dma_start3A_305 = tpu.memref_slice %arg2[%dma_start3A_303, %dma_start3A_304] : memref<1000000x128xf32, #tpu.memory_space<hbm>> -> memref<1000000x128xf32, #tpu.memory_space<hbm>>
        tpu.enqueue_indirect_dma source(%dma_start3A_305 : memref<1000000x128xf32, #tpu.memory_space<hbm>>) target(%arg6 : memref<128x128xf32, #tpu.memory_space<vmem>>) offsets(%dma_start3A_302 : memref<128xi32, #tpu.memory_space<vmem>>) semaphore(%arg10 : memref<!tpu.dma_semaphore, #tpu.memory_space<semaphore_mem>>)
      } else {
      }
      %add3A_153 = arith.addi %mul3A_2, %add3A_132 : i32
      %jit3A_154 = arith.constant 32 : i32
      %div3A_155 = arith.divsi %add3A_153, %jit3A_154 : i32
      %sign3A_156 = arith.constant 0 : i32
      %sign3A_157 = arith.cmpi sgt, %add3A_153, %sign3A_156 : i32
      %sign3A_158 = arith.extui %sign3A_157 : i1 to i32
      %sign3A_159 = arith.constant 0 : i32
      %sign3A_160 = arith.cmpi slt, %add3A_153, %sign3A_159 : i32
      %sign3A_161 = arith.extui %sign3A_160 : i1 to i32
      %sign3A_162 = arith.subi %sign3A_158, %sign3A_161 : i32
      %sign3A_163 = arith.constant 0 : i32
      %sign3A_164 = arith.cmpi sgt, %jit3A_154, %sign3A_163 : i32
      %sign3A_165 = arith.extui %sign3A_164 : i1 to i32
      %sign3A_166 = arith.constant 0 : i32
      %sign3A_167 = arith.cmpi slt, %jit3A_154, %sign3A_166 : i32
      %sign3A_168 = arith.extui %sign3A_167 : i1 to i32
      %sign3A_169 = arith.subi %sign3A_165, %sign3A_168 : i32
      %ne3A_170 = arith.cmpi ne, %sign3A_162, %sign3A_169 : i32
      %rem3A_171 = arith.remsi %add3A_153, %jit3A_154 : i32
      %ne3A_172 = arith.constant 0 : i32
      %ne3A_173 = arith.cmpi ne, %rem3A_171, %ne3A_172 : i32
      %and3A_174 = arith.andi %ne3A_170, %ne3A_173 : i1
      %sub3A_175 = arith.constant 1 : i32
      %sub3A_176 = arith.subi %div3A_155, %sub3A_175 : i32
      %select_n3A_177 = arith.select %and3A_174, %sub3A_176, %div3A_155 : i32
      %jit3A_178 = arith.constant 32 : i32
      %eq3A_179 = arith.constant 0 : i32
      %eq3A_180 = arith.cmpi eq, %jit3A_178, %eq3A_179 : i32
      %jit3A_181 = arith.constant 1 : i32
      %select_n3A_182 = arith.select %eq3A_180, %jit3A_181, %jit3A_178 : i32
      %rem3A_183 = arith.remsi %add3A_153, %select_n3A_182 : i32
      %ne3A_184 = arith.constant 0 : i32
      %ne3A_185 = arith.cmpi ne, %rem3A_183, %ne3A_184 : i32
      %lt3A_186 = arith.constant 0 : i32
      %lt3A_187 = arith.cmpi slt, %rem3A_183, %lt3A_186 : i32
      %lt3A_188 = arith.constant 0 : i32
      %lt3A_189 = arith.cmpi slt, %select_n3A_182, %lt3A_188 : i32
      %ne3A_190 = arith.xori %lt3A_187, %lt3A_189 : i1
      %and3A_191 = arith.andi %ne3A_190, %ne3A_185 : i1
      %add3A_192 = arith.addi %rem3A_183, %select_n3A_182 : i32
      %select_n3A_193 = arith.select %and3A_191, %add3A_192, %rem3A_183 : i32
      %dma_start3A_194 = arith.constant 0 : i32
      %dma_start3A_195 = arith.constant 0 : i32
      %dma_start3A_196 = arith.constant 0 : i32
      %dma_start3A_197 = tpu.memref_slice %arg8[%dma_start3A_194, %dma_start3A_195, %dma_start3A_196] : memref<8x8x129xf32, #tpu.memory_space<vmem>> -> memref<8x8x128xf32, #tpu.memory_space<vmem>>
      %dma_start3A_198 = arith.constant 0 : i32
      %dma_start3A_199 = arith.constant 0 : i32
      %dma_start3A_200 = arith.constant 0 : i32
      %dma_start3A_201 = tpu.memref_slice %arg4[%select_n3A_177, %dma_start3A_198, %select_n3A_193, %dma_start3A_199, %dma_start3A_200] : memref<200x8x32x8x128xf32, #tpu.memory_space<hbm>> -> memref<1x8x1x8x128xf32, #tpu.memory_space<hbm>>
      %dma_start3A_202 = tpu.memref_squeeze %dma_start3A_201 : memref<1x8x1x8x128xf32, #tpu.memory_space<hbm>> -> memref<8x8x128xf32, #tpu.memory_space<hbm>>
      %dma_start3A_203 = arith.constant 0 : i32
      %dma_start3A_204 = arith.constant 0 : i32
      %dma_start3A_205 = arith.constant 0 : i32
      %dma_start3A_206 = tpu.memref_slice %arg4[%select_n3A_177, %dma_start3A_203, %select_n3A_193, %dma_start3A_204, %dma_start3A_205] : memref<200x8x32x8x128xf32, #tpu.memory_space<hbm>> -> memref<1x8x1x8x128xf32, #tpu.memory_space<hbm>>
      %dma_start3A_207 = tpu.memref_squeeze %dma_start3A_206 : memref<1x8x1x8x128xf32, #tpu.memory_space<hbm>> -> memref<8x8x128xf32, #tpu.memory_space<hbm>>
      %dma_start3A_208 = arith.constant 0 : i32
      %dma_start3A_209 = arith.constant 0 : i32
      %dma_start3A_210 = arith.constant 0 : i32
      %dma_start3A_211 = tpu.memref_slice %arg8[%dma_start3A_208, %dma_start3A_209, %dma_start3A_210] : memref<8x8x129xf32, #tpu.memory_space<vmem>> -> memref<8x8x128xf32, #tpu.memory_space<vmem>>
      tpu.enqueue_dma source(%dma_start3A_211 : memref<8x8x128xf32, #tpu.memory_space<vmem>>) target(%dma_start3A_207 : memref<8x8x128xf32, #tpu.memory_space<hbm>>) target_semaphore(%arg12 : memref<!tpu.dma_semaphore, #tpu.memory_space<semaphore_mem>>)
      %mul3A_212 = arith.constant 2 : i32
      %mul3A_213 = arith.muli %mul3A_212, %scan3A_128 : i32
      %add3A_214 = arith.constant 1 : i32
      %add3A_215 = arith.addi %mul3A_213, %add3A_214 : i32
      %dma_wait3A_216 = arith.constant 0 : i32
      %dma_wait3A_217 = tpu.memref_slice %arg5[%dma_wait3A_216] : memref<25600xi32, #tpu.memory_space<vmem>> -> memref<128xi32, #tpu.memory_space<vmem>>
      %dma_wait3A_218 = arith.constant 0 : i32
      %dma_wait3A_219 = arith.constant 0 : i32
      %dma_wait3A_220 = tpu.memref_slice %arg2[%dma_wait3A_218, %dma_wait3A_219] : memref<1000000x128xf32, #tpu.memory_space<hbm>> -> memref<1000000x128xf32, #tpu.memory_space<hbm>>
      tpu.wait_indirect_dma semaphore(%arg11 : memref<!tpu.dma_semaphore, #tpu.memory_space<semaphore_mem>>) src(%dma_wait3A_220 : memref<1000000x128xf32, #tpu.memory_space<hbm>>) dst(%arg7 : memref<128x128xf32, #tpu.memory_space<vmem>>)
      %gt3A_221 = arith.constant 0 : i32
      %gt3A_222 = arith.cmpi sgt, %scan3A_128, %gt3A_221 : i32
      %convert_element_type3A_223 = arith.extui %gt3A_222 : i1 to i32
      %cond3A_224 = arith.constant 0 : i32
      %cond3A_225 = arith.cmpi ne, %convert_element_type3A_223, %cond3A_224 : i32
      scf.if %cond3A_225 {
        %add3A_298 = arith.constant 0 : i32
        %add3A_299 = arith.addi %mul3A_2, %add3A_298 : i32
        %jit3A_300 = arith.constant 32 : i32
        %div3A_301 = arith.divsi %add3A_299, %jit3A_300 : i32
        %sign3A_302 = arith.constant 0 : i32
        %sign3A_303 = arith.cmpi sgt, %add3A_299, %sign3A_302 : i32
        %sign3A_304 = arith.extui %sign3A_303 : i1 to i32
        %sign3A_305 = arith.constant 0 : i32
        %sign3A_306 = arith.cmpi slt, %add3A_299, %sign3A_305 : i32
        %sign3A_307 = arith.extui %sign3A_306 : i1 to i32
        %sign3A_308 = arith.subi %sign3A_304, %sign3A_307 : i32
        %sign3A_309 = arith.constant 0 : i32
        %sign3A_310 = arith.cmpi sgt, %jit3A_300, %sign3A_309 : i32
        %sign3A_311 = arith.extui %sign3A_310 : i1 to i32
        %sign3A_312 = arith.constant 0 : i32
        %sign3A_313 = arith.cmpi slt, %jit3A_300, %sign3A_312 : i32
        %sign3A_314 = arith.extui %sign3A_313 : i1 to i32
        %sign3A_315 = arith.subi %sign3A_311, %sign3A_314 : i32
        %ne3A_316 = arith.cmpi ne, %sign3A_308, %sign3A_315 : i32
        %rem3A_317 = arith.remsi %add3A_299, %jit3A_300 : i32
        %ne3A_318 = arith.constant 0 : i32
        %ne3A_319 = arith.cmpi ne, %rem3A_317, %ne3A_318 : i32
        %and3A_320 = arith.andi %ne3A_316, %ne3A_319 : i1
        %sub3A_321 = arith.constant 1 : i32
        %sub3A_322 = arith.subi %div3A_301, %sub3A_321 : i32
        %select_n3A_323 = arith.select %and3A_320, %sub3A_322, %div3A_301 : i32
        %jit3A_324 = arith.constant 32 : i32
        %eq3A_325 = arith.constant 0 : i32
        %eq3A_326 = arith.cmpi eq, %jit3A_324, %eq3A_325 : i32
        %jit3A_327 = arith.constant 1 : i32
        %select_n3A_328 = arith.select %eq3A_326, %jit3A_327, %jit3A_324 : i32
        %rem3A_329 = arith.remsi %add3A_299, %select_n3A_328 : i32
        %ne3A_330 = arith.constant 0 : i32
        %ne3A_331 = arith.cmpi ne, %rem3A_329, %ne3A_330 : i32
        %lt3A_332 = arith.constant 0 : i32
        %lt3A_333 = arith.cmpi slt, %rem3A_329, %lt3A_332 : i32
        %lt3A_334 = arith.constant 0 : i32
        %lt3A_335 = arith.cmpi slt, %select_n3A_328, %lt3A_334 : i32
        %ne3A_336 = arith.xori %lt3A_333, %lt3A_335 : i1
        %and3A_337 = arith.andi %ne3A_336, %ne3A_331 : i1
        %add3A_338 = arith.addi %rem3A_329, %select_n3A_328 : i32
        %select_n3A_339 = arith.select %and3A_337, %add3A_338, %rem3A_329 : i32
        %dma_wait3A_340 = arith.constant 0 : i32
        %dma_wait3A_341 = arith.constant 0 : i32
        %dma_wait3A_342 = arith.constant 0 : i32
        %dma_wait3A_343 = tpu.memref_slice %arg9[%dma_wait3A_340, %dma_wait3A_341, %dma_wait3A_342] : memref<8x8x129xf32, #tpu.memory_space<vmem>> -> memref<8x8x128xf32, #tpu.memory_space<vmem>>
        %dma_wait3A_344 = arith.constant 0 : i32
        %dma_wait3A_345 = arith.constant 0 : i32
        %dma_wait3A_346 = arith.constant 0 : i32
        %dma_wait3A_347 = tpu.memref_slice %arg4[%select_n3A_323, %dma_wait3A_344, %select_n3A_339, %dma_wait3A_345, %dma_wait3A_346] : memref<200x8x32x8x128xf32, #tpu.memory_space<hbm>> -> memref<1x8x1x8x128xf32, #tpu.memory_space<hbm>>
        %dma_wait3A_348 = tpu.memref_squeeze %dma_wait3A_347 : memref<1x8x1x8x128xf32, #tpu.memory_space<hbm>> -> memref<8x8x128xf32, #tpu.memory_space<hbm>>
        %dma_wait3A_349 = arith.constant 0 : i32
        %dma_wait3A_350 = arith.constant 0 : i32
        %dma_wait3A_351 = arith.constant 0 : i32
        %dma_wait3A_352 = tpu.memref_slice %arg4[%select_n3A_323, %dma_wait3A_349, %select_n3A_339, %dma_wait3A_350, %dma_wait3A_351] : memref<200x8x32x8x128xf32, #tpu.memory_space<hbm>> -> memref<1x8x1x8x128xf32, #tpu.memory_space<hbm>>
        %dma_wait3A_353 = tpu.memref_squeeze %dma_wait3A_352 : memref<1x8x1x8x128xf32, #tpu.memory_space<hbm>> -> memref<8x8x128xf32, #tpu.memory_space<hbm>>
        %dma_wait3A_354 = arith.constant 0 : i32
        %dma_wait3A_355 = arith.constant 0 : i32
        %dma_wait3A_356 = arith.constant 0 : i32
        %dma_wait3A_357 = tpu.memref_slice %arg9[%dma_wait3A_354, %dma_wait3A_355, %dma_wait3A_356] : memref<8x8x129xf32, #tpu.memory_space<vmem>> -> memref<8x8x128xf32, #tpu.memory_space<vmem>>
        tpu.wait_dma2 semaphore(%arg13 : memref<!tpu.dma_semaphore, #tpu.memory_space<semaphore_mem>>) src(%dma_wait3A_357 : memref<8x8x128xf32, #tpu.memory_space<vmem>>) dst(%dma_wait3A_353 : memref<8x8x128xf32, #tpu.memory_space<hbm>>)
      } else {
      }
      %scan3A_226 = arith.constant 0 : i32
      %scan3A_227 = arith.constant 0 : i32
      %scan3A_228 = arith.constant 128 : i32
      %scan3A_229 = arith.addi %scan3A_227, %scan3A_228 : i32
      %scan3A_230 = arith.constant 1 : i32
      scf.for %scan3A_298 = %scan3A_227 to %scan3A_229 step %scan3A_230  : i32 {
        %broadcast_in_dim3A = vector.broadcast %scan3A_298 : i32 to vector<16xi32>
        %iota3A = tpu.iota {dimensions = array<i32: 0>} : vector<16xi32>
        %add3A_299 = arith.constant 0 : i32
        %add3A_300 = vector.broadcast %add3A_299 : i32 to vector<16xi32>
        %add3A_301 = arith.addi %iota3A, %add3A_300 : vector<16xi32>
        %get3A = arith.index_cast %scan3A_298 : i32 to index
        %get3A_302 = arith.constant 0 : index
        %get3A_303 = tpu.vector_load %arg7[%get3A, %get3A_302] {strides = array<i32>} : memref<128x128xf32, #tpu.memory_space<vmem>>, vector<16xf32>,
        %jit3A_304 = arith.constant 8 : i32
        %div3A_305 = vector.broadcast %jit3A_304 : i32 to vector<16xi32>
        %div3A_306 = arith.divsi %add3A_301, %div3A_305 : vector<16xi32>
        %sign3A_307 = arith.constant 0 : i32
        %sign3A_308 = vector.broadcast %sign3A_307 : i32 to vector<16xi32>
        %sign3A_309 = arith.cmpi sgt, %add3A_301, %sign3A_308 : vector<16xi32>
        %sign3A_310 = arith.extui %sign3A_309 : vector<16xi1> to vector<16xi32>
        %sign3A_311 = arith.constant 0 : i32
        %sign3A_312 = vector.broadcast %sign3A_311 : i32 to vector<16xi32>
        %sign3A_313 = arith.cmpi slt, %add3A_301, %sign3A_312 : vector<16xi32>
        %sign3A_314 = arith.extui %sign3A_313 : vector<16xi1> to vector<16xi32>
        %sign3A_315 = arith.subi %sign3A_310, %sign3A_314 : vector<16xi32>
        %sign3A_316 = arith.constant 0 : i32
        %sign3A_317 = arith.cmpi sgt, %jit3A_304, %sign3A_316 : i32
        %sign3A_318 = arith.extui %sign3A_317 : i1 to i32
        %sign3A_319 = arith.constant 0 : i32
        %sign3A_320 = arith.cmpi slt, %jit3A_304, %sign3A_319 : i32
        %sign3A_321 = arith.extui %sign3A_320 : i1 to i32
        %sign3A_322 = arith.subi %sign3A_318, %sign3A_321 : i32
        %ne3A_323 = vector.broadcast %sign3A_322 : i32 to vector<16xi32>
        %ne3A_324 = arith.cmpi ne, %sign3A_315, %ne3A_323 : vector<16xi32>
        %rem3A_325 = vector.broadcast %jit3A_304 : i32 to vector<16xi32>
        %rem3A_326 = arith.remsi %add3A_301, %rem3A_325 : vector<16xi32>
        %ne3A_327 = arith.constant 0 : i32
        %ne3A_328 = vector.broadcast %ne3A_327 : i32 to vector<16xi32>
        %ne3A_329 = arith.cmpi ne, %rem3A_326, %ne3A_328 : vector<16xi32>
        %and3A_330 = arith.andi %ne3A_324, %ne3A_329 : vector<16xi1>
        %sub3A_331 = arith.constant 1 : i32
        %sub3A_332 = vector.broadcast %sub3A_331 : i32 to vector<16xi32>
        %sub3A_333 = arith.subi %div3A_306, %sub3A_332 : vector<16xi32>
        %select_n3A_334 = arith.select %and3A_330, %sub3A_333, %div3A_306 : vector<16xi1>, vector<16xi32>
        %jit3A_335 = arith.constant 8 : i32
        %eq3A_336 = arith.constant 0 : i32
        %eq3A_337 = arith.cmpi eq, %jit3A_335, %eq3A_336 : i32
        %jit3A_338 = arith.constant 1 : i32
        %select_n3A_339 = arith.select %eq3A_337, %jit3A_338, %jit3A_335 : i32
        %rem3A_340 = vector.broadcast %select_n3A_339 : i32 to vector<16xi32>
        %rem3A_341 = arith.remsi %add3A_301, %rem3A_340 : vector<16xi32>
        %ne3A_342 = arith.constant 0 : i32
        %ne3A_343 = vector.broadcast %ne3A_342 : i32 to vector<16xi32>
        %ne3A_344 = arith.cmpi ne, %rem3A_341, %ne3A_343 : vector<16xi32>
        %lt3A_345 = arith.constant 0 : i32
        %lt3A_346 = vector.broadcast %lt3A_345 : i32 to vector<16xi32>
        %lt3A_347 = arith.cmpi slt, %rem3A_341, %lt3A_346 : vector<16xi32>
        %lt3A_348 = arith.constant 0 : i32
        %lt3A_349 = arith.cmpi slt, %select_n3A_339, %lt3A_348 : i32
        %ne3A_350 = vector.broadcast %lt3A_349 : i1 to vector<16xi1>
        %ne3A_351 = vector.broadcast %ne3A_350 : vector<16xi1> to vector<16xi1>
        %ne3A_352 = arith.xori %lt3A_347, %ne3A_351 : vector<16xi1>
        %and3A_353 = arith.andi %ne3A_352, %ne3A_344 : vector<16xi1>
        %add3A_354 = vector.broadcast %select_n3A_339 : i32 to vector<16xi32>
        %add3A_355 = arith.addi %rem3A_341, %add3A_354 : vector<16xi32>
        %select_n3A_356 = arith.select %and3A_353, %add3A_355, %rem3A_341 : vector<16xi1>, vector<16xi32>
        tpu.vector_store_idx %arg9[%select_n3A_334, %select_n3A_356, %broadcast_in_dim3A], %get3A_303 : memref<8x8x129xf32, #tpu.memory_space<vmem>>[vector<16xi32>, vector<16xi32>, vector<16xi32>], vector<16xf32>,
        %iota3A_357 = tpu.iota {dimensions = array<i32: 0>} : vector<16xi32>
        %add3A_358 = arith.constant 16 : i32
        %add3A_359 = vector.broadcast %add3A_358 : i32 to vector<16xi32>
        %add3A_360 = arith.addi %iota3A_357, %add3A_359 : vector<16xi32>
        %get3A_361 = arith.index_cast %scan3A_298 : i32 to index
        %get3A_362 = arith.constant 16 : index
        %get3A_363 = tpu.vector_load %arg7[%get3A_361, %get3A_362] {strides = array<i32>} : memref<128x128xf32, #tpu.memory_space<vmem>>, vector<16xf32>,
        %jit3A_364 = arith.constant 8 : i32
        %div3A_365 = vector.broadcast %jit3A_364 : i32 to vector<16xi32>
        %div3A_366 = arith.divsi %add3A_360, %div3A_365 : vector<16xi32>
        %sign3A_367 = arith.constant 0 : i32
        %sign3A_368 = vector.broadcast %sign3A_367 : i32 to vector<16xi32>
        %sign3A_369 = arith.cmpi sgt, %add3A_360, %sign3A_368 : vector<16xi32>
        %sign3A_370 = arith.extui %sign3A_369 : vector<16xi1> to vector<16xi32>
        %sign3A_371 = arith.constant 0 : i32
        %sign3A_372 = vector.broadcast %sign3A_371 : i32 to vector<16xi32>
        %sign3A_373 = arith.cmpi slt, %add3A_360, %sign3A_372 : vector<16xi32>
        %sign3A_374 = arith.extui %sign3A_373 : vector<16xi1> to vector<16xi32>
        %sign3A_375 = arith.subi %sign3A_370, %sign3A_374 : vector<16xi32>
        %sign3A_376 = arith.constant 0 : i32
        %sign3A_377 = arith.cmpi sgt, %jit3A_364, %sign3A_376 : i32
        %sign3A_378 = arith.extui %sign3A_377 : i1 to i32
        %sign3A_379 = arith.constant 0 : i32
        %sign3A_380 = arith.cmpi slt, %jit3A_364, %sign3A_379 : i32
        %sign3A_381 = arith.extui %sign3A_380 : i1 to i32
        %sign3A_382 = arith.subi %sign3A_378, %sign3A_381 : i32
        %ne3A_383 = vector.broadcast %sign3A_382 : i32 to vector<16xi32>
        %ne3A_384 = arith.cmpi ne, %sign3A_375, %ne3A_383 : vector<16xi32>
        %rem3A_385 = vector.broadcast %jit3A_364 : i32 to vector<16xi32>
        %rem3A_386 = arith.remsi %add3A_360, %rem3A_385 : vector<16xi32>
        %ne3A_387 = arith.constant 0 : i32
        %ne3A_388 = vector.broadcast %ne3A_387 : i32 to vector<16xi32>
        %ne3A_389 = arith.cmpi ne, %rem3A_386, %ne3A_388 : vector<16xi32>
        %and3A_390 = arith.andi %ne3A_384, %ne3A_389 : vector<16xi1>
        %sub3A_391 = arith.constant 1 : i32
        %sub3A_392 = vector.broadcast %sub3A_391 : i32 to vector<16xi32>
        %sub3A_393 = arith.subi %div3A_366, %sub3A_392 : vector<16xi32>
        %select_n3A_394 = arith.select %and3A_390, %sub3A_393, %div3A_366 : vector<16xi1>, vector<16xi32>
        %jit3A_395 = arith.constant 8 : i32
        %eq3A_396 = arith.constant 0 : i32
        %eq3A_397 = arith.cmpi eq, %jit3A_395, %eq3A_396 : i32
        %jit3A_398 = arith.constant 1 : i32
        %select_n3A_399 = arith.select %eq3A_397, %jit3A_398, %jit3A_395 : i32
        %rem3A_400 = vector.broadcast %select_n3A_399 : i32 to vector<16xi32>
        %rem3A_401 = arith.remsi %add3A_360, %rem3A_400 : vector<16xi32>
        %ne3A_402 = arith.constant 0 : i32
        %ne3A_403 = vector.broadcast %ne3A_402 : i32 to vector<16xi32>
        %ne3A_404 = arith.cmpi ne, %rem3A_401, %ne3A_403 : vector<16xi32>
        %lt3A_405 = arith.constant 0 : i32
        %lt3A_406 = vector.broadcast %lt3A_405 : i32 to vector<16xi32>
        %lt3A_407 = arith.cmpi slt, %rem3A_401, %lt3A_406 : vector<16xi32>
        %lt3A_408 = arith.constant 0 : i32
        %lt3A_409 = arith.cmpi slt, %select_n3A_399, %lt3A_408 : i32
        %ne3A_410 = vector.broadcast %lt3A_409 : i1 to vector<16xi1>
        %ne3A_411 = vector.broadcast %ne3A_410 : vector<16xi1> to vector<16xi1>
        %ne3A_412 = arith.xori %lt3A_407, %ne3A_411 : vector<16xi1>
        %and3A_413 = arith.andi %ne3A_412, %ne3A_404 : vector<16xi1>
        %add3A_414 = vector.broadcast %select_n3A_399 : i32 to vector<16xi32>
        %add3A_415 = arith.addi %rem3A_401, %add3A_414 : vector<16xi32>
        %select_n3A_416 = arith.select %and3A_413, %add3A_415, %rem3A_401 : vector<16xi1>, vector<16xi32>
        tpu.vector_store_idx %arg9[%select_n3A_394, %select_n3A_416, %broadcast_in_dim3A], %get3A_363 : memref<8x8x129xf32, #tpu.memory_space<vmem>>[vector<16xi32>, vector<16xi32>, vector<16xi32>], vector<16xf32>,
        %iota3A_417 = tpu.iota {dimensions = array<i32: 0>} : vector<16xi32>
        %add3A_418 = arith.constant 32 : i32
        %add3A_419 = vector.broadcast %add3A_418 : i32 to vector<16xi32>
        %add3A_420 = arith.addi %iota3A_417, %add3A_419 : vector<16xi32>
        %get3A_421 = arith.index_cast %scan3A_298 : i32 to index
        %get3A_422 = arith.constant 32 : index
        %get3A_423 = tpu.vector_load %arg7[%get3A_421, %get3A_422] {strides = array<i32>} : memref<128x128xf32, #tpu.memory_space<vmem>>, vector<16xf32>,
        %jit3A_424 = arith.constant 8 : i32
        %div3A_425 = vector.broadcast %jit3A_424 : i32 to vector<16xi32>
        %div3A_426 = arith.divsi %add3A_420, %div3A_425 : vector<16xi32>
        %sign3A_427 = arith.constant 0 : i32
        %sign3A_428 = vector.broadcast %sign3A_427 : i32 to vector<16xi32>
        %sign3A_429 = arith.cmpi sgt, %add3A_420, %sign3A_428 : vector<16xi32>
        %sign3A_430 = arith.extui %sign3A_429 : vector<16xi1> to vector<16xi32>
        %sign3A_431 = arith.constant 0 : i32
        %sign3A_432 = vector.broadcast %sign3A_431 : i32 to vector<16xi32>
        %sign3A_433 = arith.cmpi slt, %add3A_420, %sign3A_432 : vector<16xi32>
        %sign3A_434 = arith.extui %sign3A_433 : vector<16xi1> to vector<16xi32>
        %sign3A_435 = arith.subi %sign3A_430, %sign3A_434 : vector<16xi32>
        %sign3A_436 = arith.constant 0 : i32
        %sign3A_437 = arith.cmpi sgt, %jit3A_424, %sign3A_436 : i32
        %sign3A_438 = arith.extui %sign3A_437 : i1 to i32
        %sign3A_439 = arith.constant 0 : i32
        %sign3A_440 = arith.cmpi slt, %jit3A_424, %sign3A_439 : i32
        %sign3A_441 = arith.extui %sign3A_440 : i1 to i32
        %sign3A_442 = arith.subi %sign3A_438, %sign3A_441 : i32
        %ne3A_443 = vector.broadcast %sign3A_442 : i32 to vector<16xi32>
        %ne3A_444 = arith.cmpi ne, %sign3A_435, %ne3A_443 : vector<16xi32>
        %rem3A_445 = vector.broadcast %jit3A_424 : i32 to vector<16xi32>
        %rem3A_446 = arith.remsi %add3A_420, %rem3A_445 : vector<16xi32>
        %ne3A_447 = arith.constant 0 : i32
        %ne3A_448 = vector.broadcast %ne3A_447 : i32 to vector<16xi32>
        %ne3A_449 = arith.cmpi ne, %rem3A_446, %ne3A_448 : vector<16xi32>
        %and3A_450 = arith.andi %ne3A_444, %ne3A_449 : vector<16xi1>
        %sub3A_451 = arith.constant 1 : i32
        %sub3A_452 = vector.broadcast %sub3A_451 : i32 to vector<16xi32>
        %sub3A_453 = arith.subi %div3A_426, %sub3A_452 : vector<16xi32>
        %select_n3A_454 = arith.select %and3A_450, %sub3A_453, %div3A_426 : vector<16xi1>, vector<16xi32>
        %jit3A_455 = arith.constant 8 : i32
        %eq3A_456 = arith.constant 0 : i32
        %eq3A_457 = arith.cmpi eq, %jit3A_455, %eq3A_456 : i32
        %jit3A_458 = arith.constant 1 : i32
        %select_n3A_459 = arith.select %eq3A_457, %jit3A_458, %jit3A_455 : i32
        %rem3A_460 = vector.broadcast %select_n3A_459 : i32 to vector<16xi32>
        %rem3A_461 = arith.remsi %add3A_420, %rem3A_460 : vector<16xi32>
        %ne3A_462 = arith.constant 0 : i32
        %ne3A_463 = vector.broadcast %ne3A_462 : i32 to vector<16xi32>
        %ne3A_464 = arith.cmpi ne, %rem3A_461, %ne3A_463 : vector<16xi32>
        %lt3A_465 = arith.constant 0 : i32
        %lt3A_466 = vector.broadcast %lt3A_465 : i32 to vector<16xi32>
        %lt3A_467 = arith.cmpi slt, %rem3A_461, %lt3A_466 : vector<16xi32>
        %lt3A_468 = arith.constant 0 : i32
        %lt3A_469 = arith.cmpi slt, %select_n3A_459, %lt3A_468 : i32
        %ne3A_470 = vector.broadcast %lt3A_469 : i1 to vector<16xi1>
        %ne3A_471 = vector.broadcast %ne3A_470 : vector<16xi1> to vector<16xi1>
        %ne3A_472 = arith.xori %lt3A_467, %ne3A_471 : vector<16xi1>
        %and3A_473 = arith.andi %ne3A_472, %ne3A_464 : vector<16xi1>
        %add3A_474 = vector.broadcast %select_n3A_459 : i32 to vector<16xi32>
        %add3A_475 = arith.addi %rem3A_461, %add3A_474 : vector<16xi32>
        %select_n3A_476 = arith.select %and3A_473, %add3A_475, %rem3A_461 : vector<16xi1>, vector<16xi32>
        tpu.vector_store_idx %arg9[%select_n3A_454, %select_n3A_476, %broadcast_in_dim3A], %get3A_423 : memref<8x8x129xf32, #tpu.memory_space<vmem>>[vector<16xi32>, vector<16xi32>, vector<16xi32>], vector<16xf32>,
        %iota3A_477 = tpu.iota {dimensions = array<i32: 0>} : vector<16xi32>
        %add3A_478 = arith.constant 48 : i32
        %add3A_479 = vector.broadcast %add3A_478 : i32 to vector<16xi32>
        %add3A_480 = arith.addi %iota3A_477, %add3A_479 : vector<16xi32>
        %get3A_481 = arith.index_cast %scan3A_298 : i32 to index
        %get3A_482 = arith.constant 48 : index
        %get3A_483 = tpu.vector_load %arg7[%get3A_481, %get3A_482] {strides = array<i32>} : memref<128x128xf32, #tpu.memory_space<vmem>>, vector<16xf32>,
        %jit3A_484 = arith.constant 8 : i32
        %div3A_485 = vector.broadcast %jit3A_484 : i32 to vector<16xi32>
        %div3A_486 = arith.divsi %add3A_480, %div3A_485 : vector<16xi32>
        %sign3A_487 = arith.constant 0 : i32
        %sign3A_488 = vector.broadcast %sign3A_487 : i32 to vector<16xi32>
        %sign3A_489 = arith.cmpi sgt, %add3A_480, %sign3A_488 : vector<16xi32>
        %sign3A_490 = arith.extui %sign3A_489 : vector<16xi1> to vector<16xi32>
        %sign3A_491 = arith.constant 0 : i32
        %sign3A_492 = vector.broadcast %sign3A_491 : i32 to vector<16xi32>
        %sign3A_493 = arith.cmpi slt, %add3A_480, %sign3A_492 : vector<16xi32>
        %sign3A_494 = arith.extui %sign3A_493 : vector<16xi1> to vector<16xi32>
        %sign3A_495 = arith.subi %sign3A_490, %sign3A_494 : vector<16xi32>
        %sign3A_496 = arith.constant 0 : i32
        %sign3A_497 = arith.cmpi sgt, %jit3A_484, %sign3A_496 : i32
        %sign3A_498 = arith.extui %sign3A_497 : i1 to i32
        %sign3A_499 = arith.constant 0 : i32
        %sign3A_500 = arith.cmpi slt, %jit3A_484, %sign3A_499 : i32
        %sign3A_501 = arith.extui %sign3A_500 : i1 to i32
        %sign3A_502 = arith.subi %sign3A_498, %sign3A_501 : i32
        %ne3A_503 = vector.broadcast %sign3A_502 : i32 to vector<16xi32>
        %ne3A_504 = arith.cmpi ne, %sign3A_495, %ne3A_503 : vector<16xi32>
        %rem3A_505 = vector.broadcast %jit3A_484 : i32 to vector<16xi32>
        %rem3A_506 = arith.remsi %add3A_480, %rem3A_505 : vector<16xi32>
        %ne3A_507 = arith.constant 0 : i32
        %ne3A_508 = vector.broadcast %ne3A_507 : i32 to vector<16xi32>
        %ne3A_509 = arith.cmpi ne, %rem3A_506, %ne3A_508 : vector<16xi32>
        %and3A_510 = arith.andi %ne3A_504, %ne3A_509 : vector<16xi1>
        %sub3A_511 = arith.constant 1 : i32
        %sub3A_512 = vector.broadcast %sub3A_511 : i32 to vector<16xi32>
        %sub3A_513 = arith.subi %div3A_486, %sub3A_512 : vector<16xi32>
        %select_n3A_514 = arith.select %and3A_510, %sub3A_513, %div3A_486 : vector<16xi1>, vector<16xi32>
        %jit3A_515 = arith.constant 8 : i32
        %eq3A_516 = arith.constant 0 : i32
        %eq3A_517 = arith.cmpi eq, %jit3A_515, %eq3A_516 : i32
        %jit3A_518 = arith.constant 1 : i32
        %select_n3A_519 = arith.select %eq3A_517, %jit3A_518, %jit3A_515 : i32
        %rem3A_520 = vector.broadcast %select_n3A_519 : i32 to vector<16xi32>
        %rem3A_521 = arith.remsi %add3A_480, %rem3A_520 : vector<16xi32>
        %ne3A_522 = arith.constant 0 : i32
        %ne3A_523 = vector.broadcast %ne3A_522 : i32 to vector<16xi32>
        %ne3A_524 = arith.cmpi ne, %rem3A_521, %ne3A_523 : vector<16xi32>
        %lt3A_525 = arith.constant 0 : i32
        %lt3A_526 = vector.broadcast %lt3A_525 : i32 to vector<16xi32>
        %lt3A_527 = arith.cmpi slt, %rem3A_521, %lt3A_526 : vector<16xi32>
        %lt3A_528 = arith.constant 0 : i32
        %lt3A_529 = arith.cmpi slt, %select_n3A_519, %lt3A_528 : i32
        %ne3A_530 = vector.broadcast %lt3A_529 : i1 to vector<16xi1>
        %ne3A_531 = vector.broadcast %ne3A_530 : vector<16xi1> to vector<16xi1>
        %ne3A_532 = arith.xori %lt3A_527, %ne3A_531 : vector<16xi1>
        %and3A_533 = arith.andi %ne3A_532, %ne3A_524 : vector<16xi1>
        %add3A_534 = vector.broadcast %select_n3A_519 : i32 to vector<16xi32>
        %add3A_535 = arith.addi %rem3A_521, %add3A_534 : vector<16xi32>
        %select_n3A_536 = arith.select %and3A_533, %add3A_535, %rem3A_521 : vector<16xi1>, vector<16xi32>
        tpu.vector_store_idx %arg9[%select_n3A_514, %select_n3A_536, %broadcast_in_dim3A], %get3A_483 : memref<8x8x129xf32, #tpu.memory_space<vmem>>[vector<16xi32>, vector<16xi32>, vector<16xi32>], vector<16xf32>,
      }
      %scan3A_231 = arith.constant 128 : i32
      %add3A_232 = arith.constant 2 : i32
      %add3A_233 = arith.addi %add3A_215, %add3A_232 : i32
      %lt3A_234 = arith.constant 200 : i32
      %lt3A_235 = arith.cmpi slt, %add3A_233, %lt3A_234 : i32
      %convert_element_type3A_236 = arith.extui %lt3A_235 : i1 to i32
      %cond3A_237 = arith.constant 0 : i32
      %cond3A_238 = arith.cmpi ne, %convert_element_type3A_236, %cond3A_237 : i32
      scf.if %cond3A_238 {
        %add3A_298 = arith.constant 2 : i32
        %add3A_299 = arith.addi %add3A_215, %add3A_298 : i32
        %mul3A_300 = arith.constant 128 : i32
        %mul3A_301 = arith.muli %add3A_299, %mul3A_300 : i32
        %dma_start3A_302 = tpu.memref_slice %arg5[%mul3A_301] : memref<25600xi32, #tpu.memory_space<vmem>> -> memref<128xi32, #tpu.memory_space<vmem>>
        %dma_start3A_303 = arith.constant 0 : i32
        %dma_start3A_304 = arith.constant 0 : i32
        %dma_start3A_305 = tpu.memref_slice %arg2[%dma_start3A_303, %dma_start3A_304] : memref<1000000x128xf32, #tpu.memory_space<hbm>> -> memref<1000000x128xf32, #tpu.memory_space<hbm>>
        tpu.enqueue_indirect_dma source(%dma_start3A_305 : memref<1000000x128xf32, #tpu.memory_space<hbm>>) target(%arg7 : memref<128x128xf32, #tpu.memory_space<vmem>>) offsets(%dma_start3A_302 : memref<128xi32, #tpu.memory_space<vmem>>) semaphore(%arg11 : memref<!tpu.dma_semaphore, #tpu.memory_space<semaphore_mem>>)
      } else {
      }
      %add3A_239 = arith.addi %mul3A_2, %add3A_215 : i32
      %jit3A_240 = arith.constant 32 : i32
      %div3A_241 = arith.divsi %add3A_239, %jit3A_240 : i32
      %sign3A_242 = arith.constant 0 : i32
      %sign3A_243 = arith.cmpi sgt, %add3A_239, %sign3A_242 : i32
      %sign3A_244 = arith.extui %sign3A_243 : i1 to i32
      %sign3A_245 = arith.constant 0 : i32
      %sign3A_246 = arith.cmpi slt, %add3A_239, %sign3A_245 : i32
      %sign3A_247 = arith.extui %sign3A_246 : i1 to i32
      %sign3A_248 = arith.subi %sign3A_244, %sign3A_247 : i32
      %sign3A_249 = arith.constant 0 : i32
      %sign3A_250 = arith.cmpi sgt, %jit3A_240, %sign3A_249 : i32
      %sign3A_251 = arith.extui %sign3A_250 : i1 to i32
      %sign3A_252 = arith.constant 0 : i32
      %sign3A_253 = arith.cmpi slt, %jit3A_240, %sign3A_252 : i32
      %sign3A_254 = arith.extui %sign3A_253 : i1 to i32
      %sign3A_255 = arith.subi %sign3A_251, %sign3A_254 : i32
      %ne3A_256 = arith.cmpi ne, %sign3A_248, %sign3A_255 : i32
      %rem3A_257 = arith.remsi %add3A_239, %jit3A_240 : i32
      %ne3A_258 = arith.constant 0 : i32
      %ne3A_259 = arith.cmpi ne, %rem3A_257, %ne3A_258 : i32
      %and3A_260 = arith.andi %ne3A_256, %ne3A_259 : i1
      %sub3A_261 = arith.constant 1 : i32
      %sub3A_262 = arith.subi %div3A_241, %sub3A_261 : i32
      %select_n3A_263 = arith.select %and3A_260, %sub3A_262, %div3A_241 : i32
      %jit3A_264 = arith.constant 32 : i32
      %eq3A_265 = arith.constant 0 : i32
      %eq3A_266 = arith.cmpi eq, %jit3A_264, %eq3A_265 : i32
      %jit3A_267 = arith.constant 1 : i32
      %select_n3A_268 = arith.select %eq3A_266, %jit3A_267, %jit3A_264 : i32
      %rem3A_269 = arith.remsi %add3A_239, %select_n3A_268 : i32
      %ne3A_270 = arith.constant 0 : i32
      %ne3A_271 = arith.cmpi ne, %rem3A_269, %ne3A_270 : i32
      %lt3A_272 = arith.constant 0 : i32
      %lt3A_273 = arith.cmpi slt, %rem3A_269, %lt3A_272 : i32
      %lt3A_274 = arith.constant 0 : i32
      %lt3A_275 = arith.cmpi slt, %select_n3A_268, %lt3A_274 : i32
      %ne3A_276 = arith.xori %lt3A_273, %lt3A_275 : i1
      %and3A_277 = arith.andi %ne3A_276, %ne3A_271 : i1
      %add3A_278 = arith.addi %rem3A_269, %select_n3A_268 : i32
      %select_n3A_279 = arith.select %and3A_277, %add3A_278, %rem3A_269 : i32
      %dma_start3A_280 = arith.constant 0 : i32
      %dma_start3A_281 = arith.constant 0 : i32
      %dma_start3A_282 = arith.constant 0 : i32
      %dma_start3A_283 = tpu.memref_slice %arg9[%dma_start3A_280, %dma_start3A_281, %dma_start3A_282] : memref<8x8x129xf32, #tpu.memory_space<vmem>> -> memref<8x8x128xf32, #tpu.memory_space<vmem>>
      %dma_start3A_284 = arith.constant 0 : i32
      %dma_start3A_285 = arith.constant 0 : i32
      %dma_start3A_286 = arith.constant 0 : i32
      %dma_start3A_287 = tpu.memref_slice %arg4[%select_n3A_263, %dma_start3A_284, %select_n3A_279, %dma_start3A_285, %dma_start3A_286] : memref<200x8x32x8x128xf32, #tpu.memory_space<hbm>> -> memref<1x8x1x8x128xf32, #tpu.memory_space<hbm>>
      %dma_start3A_288 = tpu.memref_squeeze %dma_start3A_287 : memref<1x8x1x8x128xf32, #tpu.memory_space<hbm>> -> memref<8x8x128xf32, #tpu.memory_space<hbm>>
      %dma_start3A_289 = arith.constant 0 : i32
      %dma_start3A_290 = arith.constant 0 : i32
      %dma_start3A_291 = arith.constant 0 : i32
      %dma_start3A_292 = tpu.memref_slice %arg4[%select_n3A_263, %dma_start3A_289, %select_n3A_279, %dma_start3A_290, %dma_start3A_291] : memref<200x8x32x8x128xf32, #tpu.memory_space<hbm>> -> memref<1x8x1x8x128xf32, #tpu.memory_space<hbm>>
      %dma_start3A_293 = tpu.memref_squeeze %dma_start3A_292 : memref<1x8x1x8x128xf32, #tpu.memory_space<hbm>> -> memref<8x8x128xf32, #tpu.memory_space<hbm>>
      %dma_start3A_294 = arith.constant 0 : i32
      %dma_start3A_295 = arith.constant 0 : i32
      %dma_start3A_296 = arith.constant 0 : i32
      %dma_start3A_297 = tpu.memref_slice %arg9[%dma_start3A_294, %dma_start3A_295, %dma_start3A_296] : memref<8x8x129xf32, #tpu.memory_space<vmem>> -> memref<8x8x128xf32, #tpu.memory_space<vmem>>
      tpu.enqueue_dma source(%dma_start3A_297 : memref<8x8x128xf32, #tpu.memory_space<vmem>>) target(%dma_start3A_293 : memref<8x8x128xf32, #tpu.memory_space<hbm>>) target_semaphore(%arg13 : memref<!tpu.dma_semaphore, #tpu.memory_space<semaphore_mem>>)
    }
    %scan3A_18 = arith.constant 100 : i32
    %add3A_19 = arith.constant 0 : i32
    %add3A_20 = arith.addi %mul3A_2, %add3A_19 : i32
    %jit3A = arith.constant 32 : i32
    %div3A = arith.divsi %add3A_20, %jit3A : i32
    %sign3A = arith.constant 0 : i32
    %sign3A_21 = arith.cmpi sgt, %add3A_20, %sign3A : i32
    %sign3A_22 = arith.extui %sign3A_21 : i1 to i32
    %sign3A_23 = arith.constant 0 : i32
    %sign3A_24 = arith.cmpi slt, %add3A_20, %sign3A_23 : i32
    %sign3A_25 = arith.extui %sign3A_24 : i1 to i32
    %sign3A_26 = arith.subi %sign3A_22, %sign3A_25 : i32
    %sign3A_27 = arith.constant 0 : i32
    %sign3A_28 = arith.cmpi sgt, %jit3A, %sign3A_27 : i32
    %sign3A_29 = arith.extui %sign3A_28 : i1 to i32
    %sign3A_30 = arith.constant 0 : i32
    %sign3A_31 = arith.cmpi slt, %jit3A, %sign3A_30 : i32
    %sign3A_32 = arith.extui %sign3A_31 : i1 to i32
    %sign3A_33 = arith.subi %sign3A_29, %sign3A_32 : i32
    %ne3A = arith.cmpi ne, %sign3A_26, %sign3A_33 : i32
    %rem3A = arith.remsi %add3A_20, %jit3A : i32
    %ne3A_34 = arith.constant 0 : i32
    %ne3A_35 = arith.cmpi ne, %rem3A, %ne3A_34 : i32
    %and3A = arith.andi %ne3A, %ne3A_35 : i1
    %sub3A = arith.constant 1 : i32
    %sub3A_36 = arith.subi %div3A, %sub3A : i32
    %select_n3A = arith.select %and3A, %sub3A_36, %div3A : i32
    %jit3A_37 = arith.constant 32 : i32
    %eq3A = arith.constant 0 : i32
    %eq3A_38 = arith.cmpi eq, %jit3A_37, %eq3A : i32
    %jit3A_39 = arith.constant 1 : i32
    %select_n3A_40 = arith.select %eq3A_38, %jit3A_39, %jit3A_37 : i32
    %rem3A_41 = arith.remsi %add3A_20, %select_n3A_40 : i32
    %ne3A_42 = arith.constant 0 : i32
    %ne3A_43 = arith.cmpi ne, %rem3A_41, %ne3A_42 : i32
    %lt3A = arith.constant 0 : i32
    %lt3A_44 = arith.cmpi slt, %rem3A_41, %lt3A : i32
    %lt3A_45 = arith.constant 0 : i32
    %lt3A_46 = arith.cmpi slt, %select_n3A_40, %lt3A_45 : i32
    %ne3A_47 = arith.xori %lt3A_44, %lt3A_46 : i1
    %and3A_48 = arith.andi %ne3A_47, %ne3A_43 : i1
    %add3A_49 = arith.addi %rem3A_41, %select_n3A_40 : i32
    %select_n3A_50 = arith.select %and3A_48, %add3A_49, %rem3A_41 : i32
    %dma_wait3A = arith.constant 0 : i32
    %dma_wait3A_51 = arith.constant 0 : i32
    %dma_wait3A_52 = arith.constant 0 : i32
    %dma_wait3A_53 = tpu.memref_slice %arg8[%dma_wait3A, %dma_wait3A_51, %dma_wait3A_52] : memref<8x8x129xf32, #tpu.memory_space<vmem>> -> memref<8x8x128xf32, #tpu.memory_space<vmem>>
    %dma_wait3A_54 = arith.constant 0 : i32
    %dma_wait3A_55 = arith.constant 0 : i32
    %dma_wait3A_56 = arith.constant 0 : i32
    %dma_wait3A_57 = tpu.memref_slice %arg4[%select_n3A, %dma_wait3A_54, %select_n3A_50, %dma_wait3A_55, %dma_wait3A_56] : memref<200x8x32x8x128xf32, #tpu.memory_space<hbm>> -> memref<1x8x1x8x128xf32, #tpu.memory_space<hbm>>
    %dma_wait3A_58 = tpu.memref_squeeze %dma_wait3A_57 : memref<1x8x1x8x128xf32, #tpu.memory_space<hbm>> -> memref<8x8x128xf32, #tpu.memory_space<hbm>>
    %dma_wait3A_59 = arith.constant 0 : i32
    %dma_wait3A_60 = arith.constant 0 : i32
    %dma_wait3A_61 = arith.constant 0 : i32
    %dma_wait3A_62 = tpu.memref_slice %arg4[%select_n3A, %dma_wait3A_59, %select_n3A_50, %dma_wait3A_60, %dma_wait3A_61] : memref<200x8x32x8x128xf32, #tpu.memory_space<hbm>> -> memref<1x8x1x8x128xf32, #tpu.memory_space<hbm>>
    %dma_wait3A_63 = tpu.memref_squeeze %dma_wait3A_62 : memref<1x8x1x8x128xf32, #tpu.memory_space<hbm>> -> memref<8x8x128xf32, #tpu.memory_space<hbm>>
    %dma_wait3A_64 = arith.constant 0 : i32
    %dma_wait3A_65 = arith.constant 0 : i32
    %dma_wait3A_66 = arith.constant 0 : i32
    %dma_wait3A_67 = tpu.memref_slice %arg8[%dma_wait3A_64, %dma_wait3A_65, %dma_wait3A_66] : memref<8x8x129xf32, #tpu.memory_space<vmem>> -> memref<8x8x128xf32, #tpu.memory_space<vmem>>
    tpu.wait_dma2 semaphore(%arg12 : memref<!tpu.dma_semaphore, #tpu.memory_space<semaphore_mem>>) src(%dma_wait3A_67 : memref<8x8x128xf32, #tpu.memory_space<vmem>>) dst(%dma_wait3A_63 : memref<8x8x128xf32, #tpu.memory_space<hbm>>)
    %add3A_68 = arith.constant 0 : i32
    %add3A_69 = arith.addi %mul3A_2, %add3A_68 : i32
    %jit3A_70 = arith.constant 32 : i32
    %div3A_71 = arith.divsi %add3A_69, %jit3A_70 : i32
    %sign3A_72 = arith.constant 0 : i32
    %sign3A_73 = arith.cmpi sgt, %add3A_69, %sign3A_72 : i32
    %sign3A_74 = arith.extui %sign3A_73 : i1 to i32
    %sign3A_75 = arith.constant 0 : i32
    %sign3A_76 = arith.cmpi slt, %add3A_69, %sign3A_75 : i32
    %sign3A_77 = arith.extui %sign3A_76 : i1 to i32
    %sign3A_78 = arith.subi %sign3A_74, %sign3A_77 : i32
    %sign3A_79 = arith.constant 0 : i32
    %sign3A_80 = arith.cmpi sgt, %jit3A_70, %sign3A_79 : i32
    %sign3A_81 = arith.extui %sign3A_80 : i1 to i32
    %sign3A_82 = arith.constant 0 : i32
    %sign3A_83 = arith.cmpi slt, %jit3A_70, %sign3A_82 : i32
    %sign3A_84 = arith.extui %sign3A_83 : i1 to i32
    %sign3A_85 = arith.subi %sign3A_81, %sign3A_84 : i32
    %ne3A_86 = arith.cmpi ne, %sign3A_78, %sign3A_85 : i32
    %rem3A_87 = arith.remsi %add3A_69, %jit3A_70 : i32
    %ne3A_88 = arith.constant 0 : i32
    %ne3A_89 = arith.cmpi ne, %rem3A_87, %ne3A_88 : i32
    %and3A_90 = arith.andi %ne3A_86, %ne3A_89 : i1
    %sub3A_91 = arith.constant 1 : i32
    %sub3A_92 = arith.subi %div3A_71, %sub3A_91 : i32
    %select_n3A_93 = arith.select %and3A_90, %sub3A_92, %div3A_71 : i32
    %jit3A_94 = arith.constant 32 : i32
    %eq3A_95 = arith.constant 0 : i32
    %eq3A_96 = arith.cmpi eq, %jit3A_94, %eq3A_95 : i32
    %jit3A_97 = arith.constant 1 : i32
    %select_n3A_98 = arith.select %eq3A_96, %jit3A_97, %jit3A_94 : i32
    %rem3A_99 = arith.remsi %add3A_69, %select_n3A_98 : i32
    %ne3A_100 = arith.constant 0 : i32
    %ne3A_101 = arith.cmpi ne, %rem3A_99, %ne3A_100 : i32
    %lt3A_102 = arith.constant 0 : i32
    %lt3A_103 = arith.cmpi slt, %rem3A_99, %lt3A_102 : i32
    %lt3A_104 = arith.constant 0 : i32
    %lt3A_105 = arith.cmpi slt, %select_n3A_98, %lt3A_104 : i32
    %ne3A_106 = arith.xori %lt3A_103, %lt3A_105 : i1
    %and3A_107 = arith.andi %ne3A_106, %ne3A_101 : i1
    %add3A_108 = arith.addi %rem3A_99, %select_n3A_98 : i32
    %select_n3A_109 = arith.select %and3A_107, %add3A_108, %rem3A_99 : i32
    %dma_wait3A_110 = arith.constant 0 : i32
    %dma_wait3A_111 = arith.constant 0 : i32
    %dma_wait3A_112 = arith.constant 0 : i32
    %dma_wait3A_113 = tpu.memref_slice %arg9[%dma_wait3A_110, %dma_wait3A_111, %dma_wait3A_112] : memref<8x8x129xf32, #tpu.memory_space<vmem>> -> memref<8x8x128xf32, #tpu.memory_space<vmem>>
    %dma_wait3A_114 = arith.constant 0 : i32
    %dma_wait3A_115 = arith.constant 0 : i32
    %dma_wait3A_116 = arith.constant 0 : i32
    %dma_wait3A_117 = tpu.memref_slice %arg4[%select_n3A_93, %dma_wait3A_114, %select_n3A_109, %dma_wait3A_115, %dma_wait3A_116] : memref<200x8x32x8x128xf32, #tpu.memory_space<hbm>> -> memref<1x8x1x8x128xf32, #tpu.memory_space<hbm>>
    %dma_wait3A_118 = tpu.memref_squeeze %dma_wait3A_117 : memref<1x8x1x8x128xf32, #tpu.memory_space<hbm>> -> memref<8x8x128xf32, #tpu.memory_space<hbm>>
    %dma_wait3A_119 = arith.constant 0 : i32
    %dma_wait3A_120 = arith.constant 0 : i32
    %dma_wait3A_121 = arith.constant 0 : i32
    %dma_wait3A_122 = tpu.memref_slice %arg4[%select_n3A_93, %dma_wait3A_119, %select_n3A_109, %dma_wait3A_120, %dma_wait3A_121] : memref<200x8x32x8x128xf32, #tpu.memory_space<hbm>> -> memref<1x8x1x8x128xf32, #tpu.memory_space<hbm>>
    %dma_wait3A_123 = tpu.memref_squeeze %dma_wait3A_122 : memref<1x8x1x8x128xf32, #tpu.memory_space<hbm>> -> memref<8x8x128xf32, #tpu.memory_space<hbm>>
    %dma_wait3A_124 = arith.constant 0 : i32
    %dma_wait3A_125 = arith.constant 0 : i32
    %dma_wait3A_126 = arith.constant 0 : i32
    %dma_wait3A_127 = tpu.memref_slice %arg9[%dma_wait3A_124, %dma_wait3A_125, %dma_wait3A_126] : memref<8x8x129xf32, #tpu.memory_space<vmem>> -> memref<8x8x128xf32, #tpu.memory_space<vmem>>
    tpu.wait_dma2 semaphore(%arg13 : memref<!tpu.dma_semaphore, #tpu.memory_space<semaphore_mem>>) src(%dma_wait3A_127 : memref<8x8x128xf32, #tpu.memory_space<vmem>>) dst(%dma_wait3A_123 : memref<8x8x128xf32, #tpu.memory_space<hbm>>)
    return
  }
}

module attributes {stable_mosaic.version = 14 : i64} {
  func.func @_transpose_body(%arg0: i32, %arg1: memref<64x16384xf32, #tpu.memory_space<vmem>>, %arg2: memref<16384x128xf32, #tpu.memory_space<vmem>>) attributes {dimension_semantics = [#tpu.dimension_semantics<arbitrary>], iteration_bounds = array<i64: 62>, scalar_prefetch = 0 : i64, scratch_operands = 0 : i64, tpu.core_type = #tpu.core_type<tc>, window_params = [{transform_indices = @transform_0, window_bounds = array<i64: 64, 16384>}, {transform_indices = @transform_1, window_bounds = array<i64: 16384, 128>}]} {
    %get3A = arith.constant 0 : index
    %get3A_0 = arith.constant 0 : index
    %get3A_1 = vector.load %arg1[%get3A, %get3A_0] : memref<64x16384xf32, #tpu.memory_space<vmem>>, vector<64x16384xf32>
    %iota3A = tpu.iota {dimensions = array<i32: 0>} : vector<128x128xi32>
    %iota3A_2 = tpu.iota {dimensions = array<i32: 1>} : vector<128x128xi32>
    %eq3A = arith.cmpi eq, %iota3A, %iota3A_2 : vector<128x128xi32>
    %convert_element_type3A = arith.extui %eq3A : vector<128x128xi1> to vector<128x128xi32>
    %convert_element_type3A_3 = arith.sitofp %convert_element_type3A : vector<128x128xi32> to vector<128x128xf32>
    %broadcast_in_dim3A = arith.constant 0.000000e+00 : f32
    %broadcast_in_dim3A_4 = vector.broadcast %broadcast_in_dim3A : f32 to vector<16384x64xf32>
    %slice3A = vector.extract_strided_slice %get3A_1 {offsets = [0, 0], sizes = [64, 128], strides = [1, 1]} : vector<64x16384xf32> to vector<64x128xf32>
    %dot_general3A = arith.constant dense<0.000000e+00> : vector<128x64xf32>
    %dot_general3A_5 = tpu.matmul %convert_element_type3A_3, %slice3A, %dot_general3A {dimension_numbers = #tpu.dot_dimension_numbers<[1], [1], [0], [0], [0, 0, 1, 0], [], []>, precision = #tpu.contract_precision<fp32>, transpose_lhs_hint = false} : vector<128x128xf32>, vector<64x128xf32>, vector<128x64xf32> -> vector<128x64xf32>
    %slice3A_6 = vector.extract_strided_slice %get3A_1 {offsets = [0, 128], sizes = [64, 128], strides = [1, 1]} : vector<64x16384xf32> to vector<64x128xf32>
    %dot_general3A_7 = arith.constant dense<0.000000e+00> : vector<128x64xf32>
    %dot_general3A_8 = tpu.matmul %convert_element_type3A_3, %slice3A_6, %dot_general3A_7 {dimension_numbers = #tpu.dot_dimension_numbers<[1], [1], [0], [0], [0, 0, 1, 0], [], []>, precision = #tpu.contract_precision<fp32>, transpose_lhs_hint = false} : vector<128x128xf32>, vector<64x128xf32>, vector<128x64xf32> -> vector<128x64xf32>
    %slice3A_9 = vector.extract_strided_slice %get3A_1 {offsets = [0, 256], sizes = [64, 128], strides = [1, 1]} : vector<64x16384xf32> to vector<64x128xf32>
    %dot_general3A_10 = arith.constant dense<0.000000e+00> : vector<128x64xf32>
    %dot_general3A_11 = tpu.matmul %convert_element_type3A_3, %slice3A_9, %dot_general3A_10 {dimension_numbers = #tpu.dot_dimension_numbers<[1], [1], [0], [0], [0, 0, 1, 0], [], []>, precision = #tpu.contract_precision<fp32>, transpose_lhs_hint = false} : vector<128x128xf32>, vector<64x128xf32>, vector<128x64xf32> -> vector<128x64xf32>
    %slice3A_12 = vector.extract_strided_slice %get3A_1 {offsets = [0, 384], sizes = [64, 128], strides = [1, 1]} : vector<64x16384xf32> to vector<64x128xf32>
    %dot_general3A_13 = arith.constant dense<0.000000e+00> : vector<128x64xf32>
    %dot_general3A_14 = tpu.matmul %convert_element_type3A_3, %slice3A_12, %dot_general3A_13 {dimension_numbers = #tpu.dot_dimension_numbers<[1], [1], [0], [0], [0, 0, 1, 0], [], []>, precision = #tpu.contract_precision<fp32>, transpose_lhs_hint = false} : vector<128x128xf32>, vector<64x128xf32>, vector<128x64xf32> -> vector<128x64xf32>
    %slice3A_15 = vector.extract_strided_slice %get3A_1 {offsets = [0, 512], sizes = [64, 128], strides = [1, 1]} : vector<64x16384xf32> to vector<64x128xf32>
    %dot_general3A_16 = arith.constant dense<0.000000e+00> : vector<128x64xf32>
    %dot_general3A_17 = tpu.matmul %convert_element_type3A_3, %slice3A_15, %dot_general3A_16 {dimension_numbers = #tpu.dot_dimension_numbers<[1], [1], [0], [0], [0, 0, 1, 0], [], []>, precision = #tpu.contract_precision<fp32>, transpose_lhs_hint = false} : vector<128x128xf32>, vector<64x128xf32>, vector<128x64xf32> -> vector<128x64xf32>
    %slice3A_18 = vector.extract_strided_slice %get3A_1 {offsets = [0, 640], sizes = [64, 128], strides = [1, 1]} : vector<64x16384xf32> to vector<64x128xf32>
    %dot_general3A_19 = arith.constant dense<0.000000e+00> : vector<128x64xf32>
    %dot_general3A_20 = tpu.matmul %convert_element_type3A_3, %slice3A_18, %dot_general3A_19 {dimension_numbers = #tpu.dot_dimension_numbers<[1], [1], [0], [0], [0, 0, 1, 0], [], []>, precision = #tpu.contract_precision<fp32>, transpose_lhs_hint = false} : vector<128x128xf32>, vector<64x128xf32>, vector<128x64xf32> -> vector<128x64xf32>
    %slice3A_21 = vector.extract_strided_slice %get3A_1 {offsets = [0, 768], sizes = [64, 128], strides = [1, 1]} : vector<64x16384xf32> to vector<64x128xf32>
    %dot_general3A_22 = arith.constant dense<0.000000e+00> : vector<128x64xf32>
    %dot_general3A_23 = tpu.matmul %convert_element_type3A_3, %slice3A_21, %dot_general3A_22 {dimension_numbers = #tpu.dot_dimension_numbers<[1], [1], [0], [0], [0, 0, 1, 0], [], []>, precision = #tpu.contract_precision<fp32>, transpose_lhs_hint = false} : vector<128x128xf32>, vector<64x128xf32>, vector<128x64xf32> -> vector<128x64xf32>
    %slice3A_24 = vector.extract_strided_slice %get3A_1 {offsets = [0, 896], sizes = [64, 128], strides = [1, 1]} : vector<64x16384xf32> to vector<64x128xf32>
    %dot_general3A_25 = arith.constant dense<0.000000e+00> : vector<128x64xf32>
    %dot_general3A_26 = tpu.matmul %convert_element_type3A_3, %slice3A_24, %dot_general3A_25 {dimension_numbers = #tpu.dot_dimension_numbers<[1], [1], [0], [0], [0, 0, 1, 0], [], []>, precision = #tpu.contract_precision<fp32>, transpose_lhs_hint = false} : vector<128x128xf32>, vector<64x128xf32>, vector<128x64xf32> -> vector<128x64xf32>
    %slice3A_27 = vector.extract_strided_slice %get3A_1 {offsets = [0, 1024], sizes = [64, 128], strides = [1, 1]} : vector<64x16384xf32> to vector<64x128xf32>
    %dot_general3A_28 = arith.constant dense<0.000000e+00> : vector<128x64xf32>
    %dot_general3A_29 = tpu.matmul %convert_element_type3A_3, %slice3A_27, %dot_general3A_28 {dimension_numbers = #tpu.dot_dimension_numbers<[1], [1], [0], [0], [0, 0, 1, 0], [], []>, precision = #tpu.contract_precision<fp32>, transpose_lhs_hint = false} : vector<128x128xf32>, vector<64x128xf32>, vector<128x64xf32> -> vector<128x64xf32>
    %slice3A_30 = vector.extract_strided_slice %get3A_1 {offsets = [0, 1152], sizes = [64, 128], strides = [1, 1]} : vector<64x16384xf32> to vector<64x128xf32>
    %dot_general3A_31 = arith.constant dense<0.000000e+00> : vector<128x64xf32>
    %dot_general3A_32 = tpu.matmul %convert_element_type3A_3, %slice3A_30, %dot_general3A_31 {dimension_numbers = #tpu.dot_dimension_numbers<[1], [1], [0], [0], [0, 0, 1, 0], [], []>, precision = #tpu.contract_precision<fp32>, transpose_lhs_hint = false} : vector<128x128xf32>, vector<64x128xf32>, vector<128x64xf32> -> vector<128x64xf32>
    %slice3A_33 = vector.extract_strided_slice %get3A_1 {offsets = [0, 1280], sizes = [64, 128], strides = [1, 1]} : vector<64x16384xf32> to vector<64x128xf32>
    %dot_general3A_34 = arith.constant dense<0.000000e+00> : vector<128x64xf32>
    %dot_general3A_35 = tpu.matmul %convert_element_type3A_3, %slice3A_33, %dot_general3A_34 {dimension_numbers = #tpu.dot_dimension_numbers<[1], [1], [0], [0], [0, 0, 1, 0], [], []>, precision = #tpu.contract_precision<fp32>, transpose_lhs_hint = false} : vector<128x128xf32>, vector<64x128xf32>, vector<128x64xf32> -> vector<128x64xf32>
    %slice3A_36 = vector.extract_strided_slice %get3A_1 {offsets = [0, 1408], sizes = [64, 128], strides = [1, 1]} : vector<64x16384xf32> to vector<64x128xf32>
    %dot_general3A_37 = arith.constant dense<0.000000e+00> : vector<128x64xf32>
    %dot_general3A_38 = tpu.matmul %convert_element_type3A_3, %slice3A_36, %dot_general3A_37 {dimension_numbers = #tpu.dot_dimension_numbers<[1], [1], [0], [0], [0, 0, 1, 0], [], []>, precision = #tpu.contract_precision<fp32>, transpose_lhs_hint = false} : vector<128x128xf32>, vector<64x128xf32>, vector<128x64xf32> -> vector<128x64xf32>
    %slice3A_39 = vector.extract_strided_slice %get3A_1 {offsets = [0, 1536], sizes = [64, 128], strides = [1, 1]} : vector<64x16384xf32> to vector<64x128xf32>
    %dot_general3A_40 = arith.constant dense<0.000000e+00> : vector<128x64xf32>
    %dot_general3A_41 = tpu.matmul %convert_element_type3A_3, %slice3A_39, %dot_general3A_40 {dimension_numbers = #tpu.dot_dimension_numbers<[1], [1], [0], [0], [0, 0, 1, 0], [], []>, precision = #tpu.contract_precision<fp32>, transpose_lhs_hint = false} : vector<128x128xf32>, vector<64x128xf32>, vector<128x64xf32> -> vector<128x64xf32>
    %slice3A_42 = vector.extract_strided_slice %get3A_1 {offsets = [0, 1664], sizes = [64, 128], strides = [1, 1]} : vector<64x16384xf32> to vector<64x128xf32>
    %dot_general3A_43 = arith.constant dense<0.000000e+00> : vector<128x64xf32>
    %dot_general3A_44 = tpu.matmul %convert_element_type3A_3, %slice3A_42, %dot_general3A_43 {dimension_numbers = #tpu.dot_dimension_numbers<[1], [1], [0], [0], [0, 0, 1, 0], [], []>, precision = #tpu.contract_precision<fp32>, transpose_lhs_hint = false} : vector<128x128xf32>, vector<64x128xf32>, vector<128x64xf32> -> vector<128x64xf32>
    %slice3A_45 = vector.extract_strided_slice %get3A_1 {offsets = [0, 1792], sizes = [64, 128], strides = [1, 1]} : vector<64x16384xf32> to vector<64x128xf32>
    %dot_general3A_46 = arith.constant dense<0.000000e+00> : vector<128x64xf32>
    %dot_general3A_47 = tpu.matmul %convert_element_type3A_3, %slice3A_45, %dot_general3A_46 {dimension_numbers = #tpu.dot_dimension_numbers<[1], [1], [0], [0], [0, 0, 1, 0], [], []>, precision = #tpu.contract_precision<fp32>, transpose_lhs_hint = false} : vector<128x128xf32>, vector<64x128xf32>, vector<128x64xf32> -> vector<128x64xf32>
    %slice3A_48 = vector.extract_strided_slice %get3A_1 {offsets = [0, 1920], sizes = [64, 128], strides = [1, 1]} : vector<64x16384xf32> to vector<64x128xf32>
    %dot_general3A_49 = arith.constant dense<0.000000e+00> : vector<128x64xf32>
    %dot_general3A_50 = tpu.matmul %convert_element_type3A_3, %slice3A_48, %dot_general3A_49 {dimension_numbers = #tpu.dot_dimension_numbers<[1], [1], [0], [0], [0, 0, 1, 0], [], []>, precision = #tpu.contract_precision<fp32>, transpose_lhs_hint = false} : vector<128x128xf32>, vector<64x128xf32>, vector<128x64xf32> -> vector<128x64xf32>
    %slice3A_51 = vector.extract_strided_slice %get3A_1 {offsets = [0, 2048], sizes = [64, 128], strides = [1, 1]} : vector<64x16384xf32> to vector<64x128xf32>
    %dot_general3A_52 = arith.constant dense<0.000000e+00> : vector<128x64xf32>
    %dot_general3A_53 = tpu.matmul %convert_element_type3A_3, %slice3A_51, %dot_general3A_52 {dimension_numbers = #tpu.dot_dimension_numbers<[1], [1], [0], [0], [0, 0, 1, 0], [], []>, precision = #tpu.contract_precision<fp32>, transpose_lhs_hint = false} : vector<128x128xf32>, vector<64x128xf32>, vector<128x64xf32> -> vector<128x64xf32>
    %slice3A_54 = vector.extract_strided_slice %get3A_1 {offsets = [0, 2176], sizes = [64, 128], strides = [1, 1]} : vector<64x16384xf32> to vector<64x128xf32>
    %dot_general3A_55 = arith.constant dense<0.000000e+00> : vector<128x64xf32>
    %dot_general3A_56 = tpu.matmul %convert_element_type3A_3, %slice3A_54, %dot_general3A_55 {dimension_numbers = #tpu.dot_dimension_numbers<[1], [1], [0], [0], [0, 0, 1, 0], [], []>, precision = #tpu.contract_precision<fp32>, transpose_lhs_hint = false} : vector<128x128xf32>, vector<64x128xf32>, vector<128x64xf32> -> vector<128x64xf32>
    %slice3A_57 = vector.extract_strided_slice %get3A_1 {offsets = [0, 2304], sizes = [64, 128], strides = [1, 1]} : vector<64x16384xf32> to vector<64x128xf32>
    %dot_general3A_58 = arith.constant dense<0.000000e+00> : vector<128x64xf32>
    %dot_general3A_59 = tpu.matmul %convert_element_type3A_3, %slice3A_57, %dot_general3A_58 {dimension_numbers = #tpu.dot_dimension_numbers<[1], [1], [0], [0], [0, 0, 1, 0], [], []>, precision = #tpu.contract_precision<fp32>, transpose_lhs_hint = false} : vector<128x128xf32>, vector<64x128xf32>, vector<128x64xf32> -> vector<128x64xf32>
    %slice3A_60 = vector.extract_strided_slice %get3A_1 {offsets = [0, 2432], sizes = [64, 128], strides = [1, 1]} : vector<64x16384xf32> to vector<64x128xf32>
    %dot_general3A_61 = arith.constant dense<0.000000e+00> : vector<128x64xf32>
    %dot_general3A_62 = tpu.matmul %convert_element_type3A_3, %slice3A_60, %dot_general3A_61 {dimension_numbers = #tpu.dot_dimension_numbers<[1], [1], [0], [0], [0, 0, 1, 0], [], []>, precision = #tpu.contract_precision<fp32>, transpose_lhs_hint = false} : vector<128x128xf32>, vector<64x128xf32>, vector<128x64xf32> -> vector<128x64xf32>
    %slice3A_63 = vector.extract_strided_slice %get3A_1 {offsets = [0, 2560], sizes = [64, 128], strides = [1, 1]} : vector<64x16384xf32> to vector<64x128xf32>
    %dot_general3A_64 = arith.constant dense<0.000000e+00> : vector<128x64xf32>
    %dot_general3A_65 = tpu.matmul %convert_element_type3A_3, %slice3A_63, %dot_general3A_64 {dimension_numbers = #tpu.dot_dimension_numbers<[1], [1], [0], [0], [0, 0, 1, 0], [], []>, precision = #tpu.contract_precision<fp32>, transpose_lhs_hint = false} : vector<128x128xf32>, vector<64x128xf32>, vector<128x64xf32> -> vector<128x64xf32>
    %slice3A_66 = vector.extract_strided_slice %get3A_1 {offsets = [0, 2688], sizes = [64, 128], strides = [1, 1]} : vector<64x16384xf32> to vector<64x128xf32>
    %dot_general3A_67 = arith.constant dense<0.000000e+00> : vector<128x64xf32>
    %dot_general3A_68 = tpu.matmul %convert_element_type3A_3, %slice3A_66, %dot_general3A_67 {dimension_numbers = #tpu.dot_dimension_numbers<[1], [1], [0], [0], [0, 0, 1, 0], [], []>, precision = #tpu.contract_precision<fp32>, transpose_lhs_hint = false} : vector<128x128xf32>, vector<64x128xf32>, vector<128x64xf32> -> vector<128x64xf32>
    %slice3A_69 = vector.extract_strided_slice %get3A_1 {offsets = [0, 2816], sizes = [64, 128], strides = [1, 1]} : vector<64x16384xf32> to vector<64x128xf32>
    %dot_general3A_70 = arith.constant dense<0.000000e+00> : vector<128x64xf32>
    %dot_general3A_71 = tpu.matmul %convert_element_type3A_3, %slice3A_69, %dot_general3A_70 {dimension_numbers = #tpu.dot_dimension_numbers<[1], [1], [0], [0], [0, 0, 1, 0], [], []>, precision = #tpu.contract_precision<fp32>, transpose_lhs_hint = false} : vector<128x128xf32>, vector<64x128xf32>, vector<128x64xf32> -> vector<128x64xf32>
    %slice3A_72 = vector.extract_strided_slice %get3A_1 {offsets = [0, 2944], sizes = [64, 128], strides = [1, 1]} : vector<64x16384xf32> to vector<64x128xf32>
    %dot_general3A_73 = arith.constant dense<0.000000e+00> : vector<128x64xf32>
    %dot_general3A_74 = tpu.matmul %convert_element_type3A_3, %slice3A_72, %dot_general3A_73 {dimension_numbers = #tpu.dot_dimension_numbers<[1], [1], [0], [0], [0, 0, 1, 0], [], []>, precision = #tpu.contract_precision<fp32>, transpose_lhs_hint = false} : vector<128x128xf32>, vector<64x128xf32>, vector<128x64xf32> -> vector<128x64xf32>
    %slice3A_75 = vector.extract_strided_slice %get3A_1 {offsets = [0, 3072], sizes = [64, 128], strides = [1, 1]} : vector<64x16384xf32> to vector<64x128xf32>
    %dot_general3A_76 = arith.constant dense<0.000000e+00> : vector<128x64xf32>
    %dot_general3A_77 = tpu.matmul %convert_element_type3A_3, %slice3A_75, %dot_general3A_76 {dimension_numbers = #tpu.dot_dimension_numbers<[1], [1], [0], [0], [0, 0, 1, 0], [], []>, precision = #tpu.contract_precision<fp32>, transpose_lhs_hint = false} : vector<128x128xf32>, vector<64x128xf32>, vector<128x64xf32> -> vector<128x64xf32>
    %slice3A_78 = vector.extract_strided_slice %get3A_1 {offsets = [0, 3200], sizes = [64, 128], strides = [1, 1]} : vector<64x16384xf32> to vector<64x128xf32>
    %dot_general3A_79 = arith.constant dense<0.000000e+00> : vector<128x64xf32>
    %dot_general3A_80 = tpu.matmul %convert_element_type3A_3, %slice3A_78, %dot_general3A_79 {dimension_numbers = #tpu.dot_dimension_numbers<[1], [1], [0], [0], [0, 0, 1, 0], [], []>, precision = #tpu.contract_precision<fp32>, transpose_lhs_hint = false} : vector<128x128xf32>, vector<64x128xf32>, vector<128x64xf32> -> vector<128x64xf32>
    %slice3A_81 = vector.extract_strided_slice %get3A_1 {offsets = [0, 3328], sizes = [64, 128], strides = [1, 1]} : vector<64x16384xf32> to vector<64x128xf32>
    %dot_general3A_82 = arith.constant dense<0.000000e+00> : vector<128x64xf32>
    %dot_general3A_83 = tpu.matmul %convert_element_type3A_3, %slice3A_81, %dot_general3A_82 {dimension_numbers = #tpu.dot_dimension_numbers<[1], [1], [0], [0], [0, 0, 1, 0], [], []>, precision = #tpu.contract_precision<fp32>, transpose_lhs_hint = false} : vector<128x128xf32>, vector<64x128xf32>, vector<128x64xf32> -> vector<128x64xf32>
    %slice3A_84 = vector.extract_strided_slice %get3A_1 {offsets = [0, 3456], sizes = [64, 128], strides = [1, 1]} : vector<64x16384xf32> to vector<64x128xf32>
    %dot_general3A_85 = arith.constant dense<0.000000e+00> : vector<128x64xf32>
    %dot_general3A_86 = tpu.matmul %convert_element_type3A_3, %slice3A_84, %dot_general3A_85 {dimension_numbers = #tpu.dot_dimension_numbers<[1], [1], [0], [0], [0, 0, 1, 0], [], []>, precision = #tpu.contract_precision<fp32>, transpose_lhs_hint = false} : vector<128x128xf32>, vector<64x128xf32>, vector<128x64xf32> -> vector<128x64xf32>
    %slice3A_87 = vector.extract_strided_slice %get3A_1 {offsets = [0, 3584], sizes = [64, 128], strides = [1, 1]} : vector<64x16384xf32> to vector<64x128xf32>
    %dot_general3A_88 = arith.constant dense<0.000000e+00> : vector<128x64xf32>
    %dot_general3A_89 = tpu.matmul %convert_element_type3A_3, %slice3A_87, %dot_general3A_88 {dimension_numbers = #tpu.dot_dimension_numbers<[1], [1], [0], [0], [0, 0, 1, 0], [], []>, precision = #tpu.contract_precision<fp32>, transpose_lhs_hint = false} : vector<128x128xf32>, vector<64x128xf32>, vector<128x64xf32> -> vector<128x64xf32>
    %slice3A_90 = vector.extract_strided_slice %get3A_1 {offsets = [0, 3712], sizes = [64, 128], strides = [1, 1]} : vector<64x16384xf32> to vector<64x128xf32>
    %dot_general3A_91 = arith.constant dense<0.000000e+00> : vector<128x64xf32>
    %dot_general3A_92 = tpu.matmul %convert_element_type3A_3, %slice3A_90, %dot_general3A_91 {dimension_numbers = #tpu.dot_dimension_numbers<[1], [1], [0], [0], [0, 0, 1, 0], [], []>, precision = #tpu.contract_precision<fp32>, transpose_lhs_hint = false} : vector<128x128xf32>, vector<64x128xf32>, vector<128x64xf32> -> vector<128x64xf32>
    %slice3A_93 = vector.extract_strided_slice %get3A_1 {offsets = [0, 3840], sizes = [64, 128], strides = [1, 1]} : vector<64x16384xf32> to vector<64x128xf32>
    %dot_general3A_94 = arith.constant dense<0.000000e+00> : vector<128x64xf32>
    %dot_general3A_95 = tpu.matmul %convert_element_type3A_3, %slice3A_93, %dot_general3A_94 {dimension_numbers = #tpu.dot_dimension_numbers<[1], [1], [0], [0], [0, 0, 1, 0], [], []>, precision = #tpu.contract_precision<fp32>, transpose_lhs_hint = false} : vector<128x128xf32>, vector<64x128xf32>, vector<128x64xf32> -> vector<128x64xf32>
    %slice3A_96 = vector.extract_strided_slice %get3A_1 {offsets = [0, 3968], sizes = [64, 128], strides = [1, 1]} : vector<64x16384xf32> to vector<64x128xf32>
    %dot_general3A_97 = arith.constant dense<0.000000e+00> : vector<128x64xf32>
    %dot_general3A_98 = tpu.matmul %convert_element_type3A_3, %slice3A_96, %dot_general3A_97 {dimension_numbers = #tpu.dot_dimension_numbers<[1], [1], [0], [0], [0, 0, 1, 0], [], []>, precision = #tpu.contract_precision<fp32>, transpose_lhs_hint = false} : vector<128x128xf32>, vector<64x128xf32>, vector<128x64xf32> -> vector<128x64xf32>
    %slice3A_99 = vector.extract_strided_slice %get3A_1 {offsets = [0, 4096], sizes = [64, 128], strides = [1, 1]} : vector<64x16384xf32> to vector<64x128xf32>
    %dot_general3A_100 = arith.constant dense<0.000000e+00> : vector<128x64xf32>
    %dot_general3A_101 = tpu.matmul %convert_element_type3A_3, %slice3A_99, %dot_general3A_100 {dimension_numbers = #tpu.dot_dimension_numbers<[1], [1], [0], [0], [0, 0, 1, 0], [], []>, precision = #tpu.contract_precision<fp32>, transpose_lhs_hint = false} : vector<128x128xf32>, vector<64x128xf32>, vector<128x64xf32> -> vector<128x64xf32>
    %slice3A_102 = vector.extract_strided_slice %get3A_1 {offsets = [0, 4224], sizes = [64, 128], strides = [1, 1]} : vector<64x16384xf32> to vector<64x128xf32>
    %dot_general3A_103 = arith.constant dense<0.000000e+00> : vector<128x64xf32>
    %dot_general3A_104 = tpu.matmul %convert_element_type3A_3, %slice3A_102, %dot_general3A_103 {dimension_numbers = #tpu.dot_dimension_numbers<[1], [1], [0], [0], [0, 0, 1, 0], [], []>, precision = #tpu.contract_precision<fp32>, transpose_lhs_hint = false} : vector<128x128xf32>, vector<64x128xf32>, vector<128x64xf32> -> vector<128x64xf32>
    %slice3A_105 = vector.extract_strided_slice %get3A_1 {offsets = [0, 4352], sizes = [64, 128], strides = [1, 1]} : vector<64x16384xf32> to vector<64x128xf32>
    %dot_general3A_106 = arith.constant dense<0.000000e+00> : vector<128x64xf32>
    %dot_general3A_107 = tpu.matmul %convert_element_type3A_3, %slice3A_105, %dot_general3A_106 {dimension_numbers = #tpu.dot_dimension_numbers<[1], [1], [0], [0], [0, 0, 1, 0], [], []>, precision = #tpu.contract_precision<fp32>, transpose_lhs_hint = false} : vector<128x128xf32>, vector<64x128xf32>, vector<128x64xf32> -> vector<128x64xf32>
    %slice3A_108 = vector.extract_strided_slice %get3A_1 {offsets = [0, 4480], sizes = [64, 128], strides = [1, 1]} : vector<64x16384xf32> to vector<64x128xf32>
    %dot_general3A_109 = arith.constant dense<0.000000e+00> : vector<128x64xf32>
    %dot_general3A_110 = tpu.matmul %convert_element_type3A_3, %slice3A_108, %dot_general3A_109 {dimension_numbers = #tpu.dot_dimension_numbers<[1], [1], [0], [0], [0, 0, 1, 0], [], []>, precision = #tpu.contract_precision<fp32>, transpose_lhs_hint = false} : vector<128x128xf32>, vector<64x128xf32>, vector<128x64xf32> -> vector<128x64xf32>
    %slice3A_111 = vector.extract_strided_slice %get3A_1 {offsets = [0, 4608], sizes = [64, 128], strides = [1, 1]} : vector<64x16384xf32> to vector<64x128xf32>
    %dot_general3A_112 = arith.constant dense<0.000000e+00> : vector<128x64xf32>
    %dot_general3A_113 = tpu.matmul %convert_element_type3A_3, %slice3A_111, %dot_general3A_112 {dimension_numbers = #tpu.dot_dimension_numbers<[1], [1], [0], [0], [0, 0, 1, 0], [], []>, precision = #tpu.contract_precision<fp32>, transpose_lhs_hint = false} : vector<128x128xf32>, vector<64x128xf32>, vector<128x64xf32> -> vector<128x64xf32>
    %slice3A_114 = vector.extract_strided_slice %get3A_1 {offsets = [0, 4736], sizes = [64, 128], strides = [1, 1]} : vector<64x16384xf32> to vector<64x128xf32>
    %dot_general3A_115 = arith.constant dense<0.000000e+00> : vector<128x64xf32>
    %dot_general3A_116 = tpu.matmul %convert_element_type3A_3, %slice3A_114, %dot_general3A_115 {dimension_numbers = #tpu.dot_dimension_numbers<[1], [1], [0], [0], [0, 0, 1, 0], [], []>, precision = #tpu.contract_precision<fp32>, transpose_lhs_hint = false} : vector<128x128xf32>, vector<64x128xf32>, vector<128x64xf32> -> vector<128x64xf32>
    %slice3A_117 = vector.extract_strided_slice %get3A_1 {offsets = [0, 4864], sizes = [64, 128], strides = [1, 1]} : vector<64x16384xf32> to vector<64x128xf32>
    %dot_general3A_118 = arith.constant dense<0.000000e+00> : vector<128x64xf32>
    %dot_general3A_119 = tpu.matmul %convert_element_type3A_3, %slice3A_117, %dot_general3A_118 {dimension_numbers = #tpu.dot_dimension_numbers<[1], [1], [0], [0], [0, 0, 1, 0], [], []>, precision = #tpu.contract_precision<fp32>, transpose_lhs_hint = false} : vector<128x128xf32>, vector<64x128xf32>, vector<128x64xf32> -> vector<128x64xf32>
    %slice3A_120 = vector.extract_strided_slice %get3A_1 {offsets = [0, 4992], sizes = [64, 128], strides = [1, 1]} : vector<64x16384xf32> to vector<64x128xf32>
    %dot_general3A_121 = arith.constant dense<0.000000e+00> : vector<128x64xf32>
    %dot_general3A_122 = tpu.matmul %convert_element_type3A_3, %slice3A_120, %dot_general3A_121 {dimension_numbers = #tpu.dot_dimension_numbers<[1], [1], [0], [0], [0, 0, 1, 0], [], []>, precision = #tpu.contract_precision<fp32>, transpose_lhs_hint = false} : vector<128x128xf32>, vector<64x128xf32>, vector<128x64xf32> -> vector<128x64xf32>
    %slice3A_123 = vector.extract_strided_slice %get3A_1 {offsets = [0, 5120], sizes = [64, 128], strides = [1, 1]} : vector<64x16384xf32> to vector<64x128xf32>
    %dot_general3A_124 = arith.constant dense<0.000000e+00> : vector<128x64xf32>
    %dot_general3A_125 = tpu.matmul %convert_element_type3A_3, %slice3A_123, %dot_general3A_124 {dimension_numbers = #tpu.dot_dimension_numbers<[1], [1], [0], [0], [0, 0, 1, 0], [], []>, precision = #tpu.contract_precision<fp32>, transpose_lhs_hint = false} : vector<128x128xf32>, vector<64x128xf32>, vector<128x64xf32> -> vector<128x64xf32>
    %slice3A_126 = vector.extract_strided_slice %get3A_1 {offsets = [0, 5248], sizes = [64, 128], strides = [1, 1]} : vector<64x16384xf32> to vector<64x128xf32>
    %dot_general3A_127 = arith.constant dense<0.000000e+00> : vector<128x64xf32>
    %dot_general3A_128 = tpu.matmul %convert_element_type3A_3, %slice3A_126, %dot_general3A_127 {dimension_numbers = #tpu.dot_dimension_numbers<[1], [1], [0], [0], [0, 0, 1, 0], [], []>, precision = #tpu.contract_precision<fp32>, transpose_lhs_hint = false} : vector<128x128xf32>, vector<64x128xf32>, vector<128x64xf32> -> vector<128x64xf32>
    %slice3A_129 = vector.extract_strided_slice %get3A_1 {offsets = [0, 5376], sizes = [64, 128], strides = [1, 1]} : vector<64x16384xf32> to vector<64x128xf32>
    %dot_general3A_130 = arith.constant dense<0.000000e+00> : vector<128x64xf32>
    %dot_general3A_131 = tpu.matmul %convert_element_type3A_3, %slice3A_129, %dot_general3A_130 {dimension_numbers = #tpu.dot_dimension_numbers<[1], [1], [0], [0], [0, 0, 1, 0], [], []>, precision = #tpu.contract_precision<fp32>, transpose_lhs_hint = false} : vector<128x128xf32>, vector<64x128xf32>, vector<128x64xf32> -> vector<128x64xf32>
    %slice3A_132 = vector.extract_strided_slice %get3A_1 {offsets = [0, 5504], sizes = [64, 128], strides = [1, 1]} : vector<64x16384xf32> to vector<64x128xf32>
    %dot_general3A_133 = arith.constant dense<0.000000e+00> : vector<128x64xf32>
    %dot_general3A_134 = tpu.matmul %convert_element_type3A_3, %slice3A_132, %dot_general3A_133 {dimension_numbers = #tpu.dot_dimension_numbers<[1], [1], [0], [0], [0, 0, 1, 0], [], []>, precision = #tpu.contract_precision<fp32>, transpose_lhs_hint = false} : vector<128x128xf32>, vector<64x128xf32>, vector<128x64xf32> -> vector<128x64xf32>
    %slice3A_135 = vector.extract_strided_slice %get3A_1 {offsets = [0, 5632], sizes = [64, 128], strides = [1, 1]} : vector<64x16384xf32> to vector<64x128xf32>
    %dot_general3A_136 = arith.constant dense<0.000000e+00> : vector<128x64xf32>
    %dot_general3A_137 = tpu.matmul %convert_element_type3A_3, %slice3A_135, %dot_general3A_136 {dimension_numbers = #tpu.dot_dimension_numbers<[1], [1], [0], [0], [0, 0, 1, 0], [], []>, precision = #tpu.contract_precision<fp32>, transpose_lhs_hint = false} : vector<128x128xf32>, vector<64x128xf32>, vector<128x64xf32> -> vector<128x64xf32>
    %slice3A_138 = vector.extract_strided_slice %get3A_1 {offsets = [0, 5760], sizes = [64, 128], strides = [1, 1]} : vector<64x16384xf32> to vector<64x128xf32>
    %dot_general3A_139 = arith.constant dense<0.000000e+00> : vector<128x64xf32>
    %dot_general3A_140 = tpu.matmul %convert_element_type3A_3, %slice3A_138, %dot_general3A_139 {dimension_numbers = #tpu.dot_dimension_numbers<[1], [1], [0], [0], [0, 0, 1, 0], [], []>, precision = #tpu.contract_precision<fp32>, transpose_lhs_hint = false} : vector<128x128xf32>, vector<64x128xf32>, vector<128x64xf32> -> vector<128x64xf32>
    %slice3A_141 = vector.extract_strided_slice %get3A_1 {offsets = [0, 5888], sizes = [64, 128], strides = [1, 1]} : vector<64x16384xf32> to vector<64x128xf32>
    %dot_general3A_142 = arith.constant dense<0.000000e+00> : vector<128x64xf32>
    %dot_general3A_143 = tpu.matmul %convert_element_type3A_3, %slice3A_141, %dot_general3A_142 {dimension_numbers = #tpu.dot_dimension_numbers<[1], [1], [0], [0], [0, 0, 1, 0], [], []>, precision = #tpu.contract_precision<fp32>, transpose_lhs_hint = false} : vector<128x128xf32>, vector<64x128xf32>, vector<128x64xf32> -> vector<128x64xf32>
    %slice3A_144 = vector.extract_strided_slice %get3A_1 {offsets = [0, 6016], sizes = [64, 128], strides = [1, 1]} : vector<64x16384xf32> to vector<64x128xf32>
    %dot_general3A_145 = arith.constant dense<0.000000e+00> : vector<128x64xf32>
    %dot_general3A_146 = tpu.matmul %convert_element_type3A_3, %slice3A_144, %dot_general3A_145 {dimension_numbers = #tpu.dot_dimension_numbers<[1], [1], [0], [0], [0, 0, 1, 0], [], []>, precision = #tpu.contract_precision<fp32>, transpose_lhs_hint = false} : vector<128x128xf32>, vector<64x128xf32>, vector<128x64xf32> -> vector<128x64xf32>
    %slice3A_147 = vector.extract_strided_slice %get3A_1 {offsets = [0, 6144], sizes = [64, 128], strides = [1, 1]} : vector<64x16384xf32> to vector<64x128xf32>
    %dot_general3A_148 = arith.constant dense<0.000000e+00> : vector<128x64xf32>
    %dot_general3A_149 = tpu.matmul %convert_element_type3A_3, %slice3A_147, %dot_general3A_148 {dimension_numbers = #tpu.dot_dimension_numbers<[1], [1], [0], [0], [0, 0, 1, 0], [], []>, precision = #tpu.contract_precision<fp32>, transpose_lhs_hint = false} : vector<128x128xf32>, vector<64x128xf32>, vector<128x64xf32> -> vector<128x64xf32>
    %slice3A_150 = vector.extract_strided_slice %get3A_1 {offsets = [0, 6272], sizes = [64, 128], strides = [1, 1]} : vector<64x16384xf32> to vector<64x128xf32>
    %dot_general3A_151 = arith.constant dense<0.000000e+00> : vector<128x64xf32>
    %dot_general3A_152 = tpu.matmul %convert_element_type3A_3, %slice3A_150, %dot_general3A_151 {dimension_numbers = #tpu.dot_dimension_numbers<[1], [1], [0], [0], [0, 0, 1, 0], [], []>, precision = #tpu.contract_precision<fp32>, transpose_lhs_hint = false} : vector<128x128xf32>, vector<64x128xf32>, vector<128x64xf32> -> vector<128x64xf32>
    %slice3A_153 = vector.extract_strided_slice %get3A_1 {offsets = [0, 6400], sizes = [64, 128], strides = [1, 1]} : vector<64x16384xf32> to vector<64x128xf32>
    %dot_general3A_154 = arith.constant dense<0.000000e+00> : vector<128x64xf32>
    %dot_general3A_155 = tpu.matmul %convert_element_type3A_3, %slice3A_153, %dot_general3A_154 {dimension_numbers = #tpu.dot_dimension_numbers<[1], [1], [0], [0], [0, 0, 1, 0], [], []>, precision = #tpu.contract_precision<fp32>, transpose_lhs_hint = false} : vector<128x128xf32>, vector<64x128xf32>, vector<128x64xf32> -> vector<128x64xf32>
    %slice3A_156 = vector.extract_strided_slice %get3A_1 {offsets = [0, 6528], sizes = [64, 128], strides = [1, 1]} : vector<64x16384xf32> to vector<64x128xf32>
    %dot_general3A_157 = arith.constant dense<0.000000e+00> : vector<128x64xf32>
    %dot_general3A_158 = tpu.matmul %convert_element_type3A_3, %slice3A_156, %dot_general3A_157 {dimension_numbers = #tpu.dot_dimension_numbers<[1], [1], [0], [0], [0, 0, 1, 0], [], []>, precision = #tpu.contract_precision<fp32>, transpose_lhs_hint = false} : vector<128x128xf32>, vector<64x128xf32>, vector<128x64xf32> -> vector<128x64xf32>
    %slice3A_159 = vector.extract_strided_slice %get3A_1 {offsets = [0, 6656], sizes = [64, 128], strides = [1, 1]} : vector<64x16384xf32> to vector<64x128xf32>
    %dot_general3A_160 = arith.constant dense<0.000000e+00> : vector<128x64xf32>
    %dot_general3A_161 = tpu.matmul %convert_element_type3A_3, %slice3A_159, %dot_general3A_160 {dimension_numbers = #tpu.dot_dimension_numbers<[1], [1], [0], [0], [0, 0, 1, 0], [], []>, precision = #tpu.contract_precision<fp32>, transpose_lhs_hint = false} : vector<128x128xf32>, vector<64x128xf32>, vector<128x64xf32> -> vector<128x64xf32>
    %slice3A_162 = vector.extract_strided_slice %get3A_1 {offsets = [0, 6784], sizes = [64, 128], strides = [1, 1]} : vector<64x16384xf32> to vector<64x128xf32>
    %dot_general3A_163 = arith.constant dense<0.000000e+00> : vector<128x64xf32>
    %dot_general3A_164 = tpu.matmul %convert_element_type3A_3, %slice3A_162, %dot_general3A_163 {dimension_numbers = #tpu.dot_dimension_numbers<[1], [1], [0], [0], [0, 0, 1, 0], [], []>, precision = #tpu.contract_precision<fp32>, transpose_lhs_hint = false} : vector<128x128xf32>, vector<64x128xf32>, vector<128x64xf32> -> vector<128x64xf32>
    %slice3A_165 = vector.extract_strided_slice %get3A_1 {offsets = [0, 6912], sizes = [64, 128], strides = [1, 1]} : vector<64x16384xf32> to vector<64x128xf32>
    %dot_general3A_166 = arith.constant dense<0.000000e+00> : vector<128x64xf32>
    %dot_general3A_167 = tpu.matmul %convert_element_type3A_3, %slice3A_165, %dot_general3A_166 {dimension_numbers = #tpu.dot_dimension_numbers<[1], [1], [0], [0], [0, 0, 1, 0], [], []>, precision = #tpu.contract_precision<fp32>, transpose_lhs_hint = false} : vector<128x128xf32>, vector<64x128xf32>, vector<128x64xf32> -> vector<128x64xf32>
    %slice3A_168 = vector.extract_strided_slice %get3A_1 {offsets = [0, 7040], sizes = [64, 128], strides = [1, 1]} : vector<64x16384xf32> to vector<64x128xf32>
    %dot_general3A_169 = arith.constant dense<0.000000e+00> : vector<128x64xf32>
    %dot_general3A_170 = tpu.matmul %convert_element_type3A_3, %slice3A_168, %dot_general3A_169 {dimension_numbers = #tpu.dot_dimension_numbers<[1], [1], [0], [0], [0, 0, 1, 0], [], []>, precision = #tpu.contract_precision<fp32>, transpose_lhs_hint = false} : vector<128x128xf32>, vector<64x128xf32>, vector<128x64xf32> -> vector<128x64xf32>
    %slice3A_171 = vector.extract_strided_slice %get3A_1 {offsets = [0, 7168], sizes = [64, 128], strides = [1, 1]} : vector<64x16384xf32> to vector<64x128xf32>
    %dot_general3A_172 = arith.constant dense<0.000000e+00> : vector<128x64xf32>
    %dot_general3A_173 = tpu.matmul %convert_element_type3A_3, %slice3A_171, %dot_general3A_172 {dimension_numbers = #tpu.dot_dimension_numbers<[1], [1], [0], [0], [0, 0, 1, 0], [], []>, precision = #tpu.contract_precision<fp32>, transpose_lhs_hint = false} : vector<128x128xf32>, vector<64x128xf32>, vector<128x64xf32> -> vector<128x64xf32>
    %slice3A_174 = vector.extract_strided_slice %get3A_1 {offsets = [0, 7296], sizes = [64, 128], strides = [1, 1]} : vector<64x16384xf32> to vector<64x128xf32>
    %dot_general3A_175 = arith.constant dense<0.000000e+00> : vector<128x64xf32>
    %dot_general3A_176 = tpu.matmul %convert_element_type3A_3, %slice3A_174, %dot_general3A_175 {dimension_numbers = #tpu.dot_dimension_numbers<[1], [1], [0], [0], [0, 0, 1, 0], [], []>, precision = #tpu.contract_precision<fp32>, transpose_lhs_hint = false} : vector<128x128xf32>, vector<64x128xf32>, vector<128x64xf32> -> vector<128x64xf32>
    %slice3A_177 = vector.extract_strided_slice %get3A_1 {offsets = [0, 7424], sizes = [64, 128], strides = [1, 1]} : vector<64x16384xf32> to vector<64x128xf32>
    %dot_general3A_178 = arith.constant dense<0.000000e+00> : vector<128x64xf32>
    %dot_general3A_179 = tpu.matmul %convert_element_type3A_3, %slice3A_177, %dot_general3A_178 {dimension_numbers = #tpu.dot_dimension_numbers<[1], [1], [0], [0], [0, 0, 1, 0], [], []>, precision = #tpu.contract_precision<fp32>, transpose_lhs_hint = false} : vector<128x128xf32>, vector<64x128xf32>, vector<128x64xf32> -> vector<128x64xf32>
    %slice3A_180 = vector.extract_strided_slice %get3A_1 {offsets = [0, 7552], sizes = [64, 128], strides = [1, 1]} : vector<64x16384xf32> to vector<64x128xf32>
    %dot_general3A_181 = arith.constant dense<0.000000e+00> : vector<128x64xf32>
    %dot_general3A_182 = tpu.matmul %convert_element_type3A_3, %slice3A_180, %dot_general3A_181 {dimension_numbers = #tpu.dot_dimension_numbers<[1], [1], [0], [0], [0, 0, 1, 0], [], []>, precision = #tpu.contract_precision<fp32>, transpose_lhs_hint = false} : vector<128x128xf32>, vector<64x128xf32>, vector<128x64xf32> -> vector<128x64xf32>
    %slice3A_183 = vector.extract_strided_slice %get3A_1 {offsets = [0, 7680], sizes = [64, 128], strides = [1, 1]} : vector<64x16384xf32> to vector<64x128xf32>
    %dot_general3A_184 = arith.constant dense<0.000000e+00> : vector<128x64xf32>
    %dot_general3A_185 = tpu.matmul %convert_element_type3A_3, %slice3A_183, %dot_general3A_184 {dimension_numbers = #tpu.dot_dimension_numbers<[1], [1], [0], [0], [0, 0, 1, 0], [], []>, precision = #tpu.contract_precision<fp32>, transpose_lhs_hint = false} : vector<128x128xf32>, vector<64x128xf32>, vector<128x64xf32> -> vector<128x64xf32>
    %slice3A_186 = vector.extract_strided_slice %get3A_1 {offsets = [0, 7808], sizes = [64, 128], strides = [1, 1]} : vector<64x16384xf32> to vector<64x128xf32>
    %dot_general3A_187 = arith.constant dense<0.000000e+00> : vector<128x64xf32>
    %dot_general3A_188 = tpu.matmul %convert_element_type3A_3, %slice3A_186, %dot_general3A_187 {dimension_numbers = #tpu.dot_dimension_numbers<[1], [1], [0], [0], [0, 0, 1, 0], [], []>, precision = #tpu.contract_precision<fp32>, transpose_lhs_hint = false} : vector<128x128xf32>, vector<64x128xf32>, vector<128x64xf32> -> vector<128x64xf32>
    %slice3A_189 = vector.extract_strided_slice %get3A_1 {offsets = [0, 7936], sizes = [64, 128], strides = [1, 1]} : vector<64x16384xf32> to vector<64x128xf32>
    %dot_general3A_190 = arith.constant dense<0.000000e+00> : vector<128x64xf32>
    %dot_general3A_191 = tpu.matmul %convert_element_type3A_3, %slice3A_189, %dot_general3A_190 {dimension_numbers = #tpu.dot_dimension_numbers<[1], [1], [0], [0], [0, 0, 1, 0], [], []>, precision = #tpu.contract_precision<fp32>, transpose_lhs_hint = false} : vector<128x128xf32>, vector<64x128xf32>, vector<128x64xf32> -> vector<128x64xf32>
    %slice3A_192 = vector.extract_strided_slice %get3A_1 {offsets = [0, 8064], sizes = [64, 128], strides = [1, 1]} : vector<64x16384xf32> to vector<64x128xf32>
    %dot_general3A_193 = arith.constant dense<0.000000e+00> : vector<128x64xf32>
    %dot_general3A_194 = tpu.matmul %convert_element_type3A_3, %slice3A_192, %dot_general3A_193 {dimension_numbers = #tpu.dot_dimension_numbers<[1], [1], [0], [0], [0, 0, 1, 0], [], []>, precision = #tpu.contract_precision<fp32>, transpose_lhs_hint = false} : vector<128x128xf32>, vector<64x128xf32>, vector<128x64xf32> -> vector<128x64xf32>
    %slice3A_195 = vector.extract_strided_slice %get3A_1 {offsets = [0, 8192], sizes = [64, 128], strides = [1, 1]} : vector<64x16384xf32> to vector<64x128xf32>
    %dot_general3A_196 = arith.constant dense<0.000000e+00> : vector<128x64xf32>
    %dot_general3A_197 = tpu.matmul %convert_element_type3A_3, %slice3A_195, %dot_general3A_196 {dimension_numbers = #tpu.dot_dimension_numbers<[1], [1], [0], [0], [0, 0, 1, 0], [], []>, precision = #tpu.contract_precision<fp32>, transpose_lhs_hint = false} : vector<128x128xf32>, vector<64x128xf32>, vector<128x64xf32> -> vector<128x64xf32>
    %slice3A_198 = vector.extract_strided_slice %get3A_1 {offsets = [0, 8320], sizes = [64, 128], strides = [1, 1]} : vector<64x16384xf32> to vector<64x128xf32>
    %dot_general3A_199 = arith.constant dense<0.000000e+00> : vector<128x64xf32>
    %dot_general3A_200 = tpu.matmul %convert_element_type3A_3, %slice3A_198, %dot_general3A_199 {dimension_numbers = #tpu.dot_dimension_numbers<[1], [1], [0], [0], [0, 0, 1, 0], [], []>, precision = #tpu.contract_precision<fp32>, transpose_lhs_hint = false} : vector<128x128xf32>, vector<64x128xf32>, vector<128x64xf32> -> vector<128x64xf32>
    %slice3A_201 = vector.extract_strided_slice %get3A_1 {offsets = [0, 8448], sizes = [64, 128], strides = [1, 1]} : vector<64x16384xf32> to vector<64x128xf32>
    %dot_general3A_202 = arith.constant dense<0.000000e+00> : vector<128x64xf32>
    %dot_general3A_203 = tpu.matmul %convert_element_type3A_3, %slice3A_201, %dot_general3A_202 {dimension_numbers = #tpu.dot_dimension_numbers<[1], [1], [0], [0], [0, 0, 1, 0], [], []>, precision = #tpu.contract_precision<fp32>, transpose_lhs_hint = false} : vector<128x128xf32>, vector<64x128xf32>, vector<128x64xf32> -> vector<128x64xf32>
    %slice3A_204 = vector.extract_strided_slice %get3A_1 {offsets = [0, 8576], sizes = [64, 128], strides = [1, 1]} : vector<64x16384xf32> to vector<64x128xf32>
    %dot_general3A_205 = arith.constant dense<0.000000e+00> : vector<128x64xf32>
    %dot_general3A_206 = tpu.matmul %convert_element_type3A_3, %slice3A_204, %dot_general3A_205 {dimension_numbers = #tpu.dot_dimension_numbers<[1], [1], [0], [0], [0, 0, 1, 0], [], []>, precision = #tpu.contract_precision<fp32>, transpose_lhs_hint = false} : vector<128x128xf32>, vector<64x128xf32>, vector<128x64xf32> -> vector<128x64xf32>
    %slice3A_207 = vector.extract_strided_slice %get3A_1 {offsets = [0, 8704], sizes = [64, 128], strides = [1, 1]} : vector<64x16384xf32> to vector<64x128xf32>
    %dot_general3A_208 = arith.constant dense<0.000000e+00> : vector<128x64xf32>
    %dot_general3A_209 = tpu.matmul %convert_element_type3A_3, %slice3A_207, %dot_general3A_208 {dimension_numbers = #tpu.dot_dimension_numbers<[1], [1], [0], [0], [0, 0, 1, 0], [], []>, precision = #tpu.contract_precision<fp32>, transpose_lhs_hint = false} : vector<128x128xf32>, vector<64x128xf32>, vector<128x64xf32> -> vector<128x64xf32>
    %slice3A_210 = vector.extract_strided_slice %get3A_1 {offsets = [0, 8832], sizes = [64, 128], strides = [1, 1]} : vector<64x16384xf32> to vector<64x128xf32>
    %dot_general3A_211 = arith.constant dense<0.000000e+00> : vector<128x64xf32>
    %dot_general3A_212 = tpu.matmul %convert_element_type3A_3, %slice3A_210, %dot_general3A_211 {dimension_numbers = #tpu.dot_dimension_numbers<[1], [1], [0], [0], [0, 0, 1, 0], [], []>, precision = #tpu.contract_precision<fp32>, transpose_lhs_hint = false} : vector<128x128xf32>, vector<64x128xf32>, vector<128x64xf32> -> vector<128x64xf32>
    %slice3A_213 = vector.extract_strided_slice %get3A_1 {offsets = [0, 8960], sizes = [64, 128], strides = [1, 1]} : vector<64x16384xf32> to vector<64x128xf32>
    %dot_general3A_214 = arith.constant dense<0.000000e+00> : vector<128x64xf32>
    %dot_general3A_215 = tpu.matmul %convert_element_type3A_3, %slice3A_213, %dot_general3A_214 {dimension_numbers = #tpu.dot_dimension_numbers<[1], [1], [0], [0], [0, 0, 1, 0], [], []>, precision = #tpu.contract_precision<fp32>, transpose_lhs_hint = false} : vector<128x128xf32>, vector<64x128xf32>, vector<128x64xf32> -> vector<128x64xf32>
    %slice3A_216 = vector.extract_strided_slice %get3A_1 {offsets = [0, 9088], sizes = [64, 128], strides = [1, 1]} : vector<64x16384xf32> to vector<64x128xf32>
    %dot_general3A_217 = arith.constant dense<0.000000e+00> : vector<128x64xf32>
    %dot_general3A_218 = tpu.matmul %convert_element_type3A_3, %slice3A_216, %dot_general3A_217 {dimension_numbers = #tpu.dot_dimension_numbers<[1], [1], [0], [0], [0, 0, 1, 0], [], []>, precision = #tpu.contract_precision<fp32>, transpose_lhs_hint = false} : vector<128x128xf32>, vector<64x128xf32>, vector<128x64xf32> -> vector<128x64xf32>
    %slice3A_219 = vector.extract_strided_slice %get3A_1 {offsets = [0, 9216], sizes = [64, 128], strides = [1, 1]} : vector<64x16384xf32> to vector<64x128xf32>
    %dot_general3A_220 = arith.constant dense<0.000000e+00> : vector<128x64xf32>
    %dot_general3A_221 = tpu.matmul %convert_element_type3A_3, %slice3A_219, %dot_general3A_220 {dimension_numbers = #tpu.dot_dimension_numbers<[1], [1], [0], [0], [0, 0, 1, 0], [], []>, precision = #tpu.contract_precision<fp32>, transpose_lhs_hint = false} : vector<128x128xf32>, vector<64x128xf32>, vector<128x64xf32> -> vector<128x64xf32>
    %slice3A_222 = vector.extract_strided_slice %get3A_1 {offsets = [0, 9344], sizes = [64, 128], strides = [1, 1]} : vector<64x16384xf32> to vector<64x128xf32>
    %dot_general3A_223 = arith.constant dense<0.000000e+00> : vector<128x64xf32>
    %dot_general3A_224 = tpu.matmul %convert_element_type3A_3, %slice3A_222, %dot_general3A_223 {dimension_numbers = #tpu.dot_dimension_numbers<[1], [1], [0], [0], [0, 0, 1, 0], [], []>, precision = #tpu.contract_precision<fp32>, transpose_lhs_hint = false} : vector<128x128xf32>, vector<64x128xf32>, vector<128x64xf32> -> vector<128x64xf32>
    %slice3A_225 = vector.extract_strided_slice %get3A_1 {offsets = [0, 9472], sizes = [64, 128], strides = [1, 1]} : vector<64x16384xf32> to vector<64x128xf32>
    %dot_general3A_226 = arith.constant dense<0.000000e+00> : vector<128x64xf32>
    %dot_general3A_227 = tpu.matmul %convert_element_type3A_3, %slice3A_225, %dot_general3A_226 {dimension_numbers = #tpu.dot_dimension_numbers<[1], [1], [0], [0], [0, 0, 1, 0], [], []>, precision = #tpu.contract_precision<fp32>, transpose_lhs_hint = false} : vector<128x128xf32>, vector<64x128xf32>, vector<128x64xf32> -> vector<128x64xf32>
    %slice3A_228 = vector.extract_strided_slice %get3A_1 {offsets = [0, 9600], sizes = [64, 128], strides = [1, 1]} : vector<64x16384xf32> to vector<64x128xf32>
    %dot_general3A_229 = arith.constant dense<0.000000e+00> : vector<128x64xf32>
    %dot_general3A_230 = tpu.matmul %convert_element_type3A_3, %slice3A_228, %dot_general3A_229 {dimension_numbers = #tpu.dot_dimension_numbers<[1], [1], [0], [0], [0, 0, 1, 0], [], []>, precision = #tpu.contract_precision<fp32>, transpose_lhs_hint = false} : vector<128x128xf32>, vector<64x128xf32>, vector<128x64xf32> -> vector<128x64xf32>
    %slice3A_231 = vector.extract_strided_slice %get3A_1 {offsets = [0, 9728], sizes = [64, 128], strides = [1, 1]} : vector<64x16384xf32> to vector<64x128xf32>
    %dot_general3A_232 = arith.constant dense<0.000000e+00> : vector<128x64xf32>
    %dot_general3A_233 = tpu.matmul %convert_element_type3A_3, %slice3A_231, %dot_general3A_232 {dimension_numbers = #tpu.dot_dimension_numbers<[1], [1], [0], [0], [0, 0, 1, 0], [], []>, precision = #tpu.contract_precision<fp32>, transpose_lhs_hint = false} : vector<128x128xf32>, vector<64x128xf32>, vector<128x64xf32> -> vector<128x64xf32>
    %slice3A_234 = vector.extract_strided_slice %get3A_1 {offsets = [0, 9856], sizes = [64, 128], strides = [1, 1]} : vector<64x16384xf32> to vector<64x128xf32>
    %dot_general3A_235 = arith.constant dense<0.000000e+00> : vector<128x64xf32>
    %dot_general3A_236 = tpu.matmul %convert_element_type3A_3, %slice3A_234, %dot_general3A_235 {dimension_numbers = #tpu.dot_dimension_numbers<[1], [1], [0], [0], [0, 0, 1, 0], [], []>, precision = #tpu.contract_precision<fp32>, transpose_lhs_hint = false} : vector<128x128xf32>, vector<64x128xf32>, vector<128x64xf32> -> vector<128x64xf32>
    %slice3A_237 = vector.extract_strided_slice %get3A_1 {offsets = [0, 9984], sizes = [64, 128], strides = [1, 1]} : vector<64x16384xf32> to vector<64x128xf32>
    %dot_general3A_238 = arith.constant dense<0.000000e+00> : vector<128x64xf32>
    %dot_general3A_239 = tpu.matmul %convert_element_type3A_3, %slice3A_237, %dot_general3A_238 {dimension_numbers = #tpu.dot_dimension_numbers<[1], [1], [0], [0], [0, 0, 1, 0], [], []>, precision = #tpu.contract_precision<fp32>, transpose_lhs_hint = false} : vector<128x128xf32>, vector<64x128xf32>, vector<128x64xf32> -> vector<128x64xf32>
    %slice3A_240 = vector.extract_strided_slice %get3A_1 {offsets = [0, 10112], sizes = [64, 128], strides = [1, 1]} : vector<64x16384xf32> to vector<64x128xf32>
    %dot_general3A_241 = arith.constant dense<0.000000e+00> : vector<128x64xf32>
    %dot_general3A_242 = tpu.matmul %convert_element_type3A_3, %slice3A_240, %dot_general3A_241 {dimension_numbers = #tpu.dot_dimension_numbers<[1], [1], [0], [0], [0, 0, 1, 0], [], []>, precision = #tpu.contract_precision<fp32>, transpose_lhs_hint = false} : vector<128x128xf32>, vector<64x128xf32>, vector<128x64xf32> -> vector<128x64xf32>
    %slice3A_243 = vector.extract_strided_slice %get3A_1 {offsets = [0, 10240], sizes = [64, 128], strides = [1, 1]} : vector<64x16384xf32> to vector<64x128xf32>
    %dot_general3A_244 = arith.constant dense<0.000000e+00> : vector<128x64xf32>
    %dot_general3A_245 = tpu.matmul %convert_element_type3A_3, %slice3A_243, %dot_general3A_244 {dimension_numbers = #tpu.dot_dimension_numbers<[1], [1], [0], [0], [0, 0, 1, 0], [], []>, precision = #tpu.contract_precision<fp32>, transpose_lhs_hint = false} : vector<128x128xf32>, vector<64x128xf32>, vector<128x64xf32> -> vector<128x64xf32>
    %slice3A_246 = vector.extract_strided_slice %get3A_1 {offsets = [0, 10368], sizes = [64, 128], strides = [1, 1]} : vector<64x16384xf32> to vector<64x128xf32>
    %dot_general3A_247 = arith.constant dense<0.000000e+00> : vector<128x64xf32>
    %dot_general3A_248 = tpu.matmul %convert_element_type3A_3, %slice3A_246, %dot_general3A_247 {dimension_numbers = #tpu.dot_dimension_numbers<[1], [1], [0], [0], [0, 0, 1, 0], [], []>, precision = #tpu.contract_precision<fp32>, transpose_lhs_hint = false} : vector<128x128xf32>, vector<64x128xf32>, vector<128x64xf32> -> vector<128x64xf32>
    %slice3A_249 = vector.extract_strided_slice %get3A_1 {offsets = [0, 10496], sizes = [64, 128], strides = [1, 1]} : vector<64x16384xf32> to vector<64x128xf32>
    %dot_general3A_250 = arith.constant dense<0.000000e+00> : vector<128x64xf32>
    %dot_general3A_251 = tpu.matmul %convert_element_type3A_3, %slice3A_249, %dot_general3A_250 {dimension_numbers = #tpu.dot_dimension_numbers<[1], [1], [0], [0], [0, 0, 1, 0], [], []>, precision = #tpu.contract_precision<fp32>, transpose_lhs_hint = false} : vector<128x128xf32>, vector<64x128xf32>, vector<128x64xf32> -> vector<128x64xf32>
    %slice3A_252 = vector.extract_strided_slice %get3A_1 {offsets = [0, 10624], sizes = [64, 128], strides = [1, 1]} : vector<64x16384xf32> to vector<64x128xf32>
    %dot_general3A_253 = arith.constant dense<0.000000e+00> : vector<128x64xf32>
    %dot_general3A_254 = tpu.matmul %convert_element_type3A_3, %slice3A_252, %dot_general3A_253 {dimension_numbers = #tpu.dot_dimension_numbers<[1], [1], [0], [0], [0, 0, 1, 0], [], []>, precision = #tpu.contract_precision<fp32>, transpose_lhs_hint = false} : vector<128x128xf32>, vector<64x128xf32>, vector<128x64xf32> -> vector<128x64xf32>
    %slice3A_255 = vector.extract_strided_slice %get3A_1 {offsets = [0, 10752], sizes = [64, 128], strides = [1, 1]} : vector<64x16384xf32> to vector<64x128xf32>
    %dot_general3A_256 = arith.constant dense<0.000000e+00> : vector<128x64xf32>
    %dot_general3A_257 = tpu.matmul %convert_element_type3A_3, %slice3A_255, %dot_general3A_256 {dimension_numbers = #tpu.dot_dimension_numbers<[1], [1], [0], [0], [0, 0, 1, 0], [], []>, precision = #tpu.contract_precision<fp32>, transpose_lhs_hint = false} : vector<128x128xf32>, vector<64x128xf32>, vector<128x64xf32> -> vector<128x64xf32>
    %slice3A_258 = vector.extract_strided_slice %get3A_1 {offsets = [0, 10880], sizes = [64, 128], strides = [1, 1]} : vector<64x16384xf32> to vector<64x128xf32>
    %dot_general3A_259 = arith.constant dense<0.000000e+00> : vector<128x64xf32>
    %dot_general3A_260 = tpu.matmul %convert_element_type3A_3, %slice3A_258, %dot_general3A_259 {dimension_numbers = #tpu.dot_dimension_numbers<[1], [1], [0], [0], [0, 0, 1, 0], [], []>, precision = #tpu.contract_precision<fp32>, transpose_lhs_hint = false} : vector<128x128xf32>, vector<64x128xf32>, vector<128x64xf32> -> vector<128x64xf32>
    %slice3A_261 = vector.extract_strided_slice %get3A_1 {offsets = [0, 11008], sizes = [64, 128], strides = [1, 1]} : vector<64x16384xf32> to vector<64x128xf32>
    %dot_general3A_262 = arith.constant dense<0.000000e+00> : vector<128x64xf32>
    %dot_general3A_263 = tpu.matmul %convert_element_type3A_3, %slice3A_261, %dot_general3A_262 {dimension_numbers = #tpu.dot_dimension_numbers<[1], [1], [0], [0], [0, 0, 1, 0], [], []>, precision = #tpu.contract_precision<fp32>, transpose_lhs_hint = false} : vector<128x128xf32>, vector<64x128xf32>, vector<128x64xf32> -> vector<128x64xf32>
    %slice3A_264 = vector.extract_strided_slice %get3A_1 {offsets = [0, 11136], sizes = [64, 128], strides = [1, 1]} : vector<64x16384xf32> to vector<64x128xf32>
    %dot_general3A_265 = arith.constant dense<0.000000e+00> : vector<128x64xf32>
    %dot_general3A_266 = tpu.matmul %convert_element_type3A_3, %slice3A_264, %dot_general3A_265 {dimension_numbers = #tpu.dot_dimension_numbers<[1], [1], [0], [0], [0, 0, 1, 0], [], []>, precision = #tpu.contract_precision<fp32>, transpose_lhs_hint = false} : vector<128x128xf32>, vector<64x128xf32>, vector<128x64xf32> -> vector<128x64xf32>
    %slice3A_267 = vector.extract_strided_slice %get3A_1 {offsets = [0, 11264], sizes = [64, 128], strides = [1, 1]} : vector<64x16384xf32> to vector<64x128xf32>
    %dot_general3A_268 = arith.constant dense<0.000000e+00> : vector<128x64xf32>
    %dot_general3A_269 = tpu.matmul %convert_element_type3A_3, %slice3A_267, %dot_general3A_268 {dimension_numbers = #tpu.dot_dimension_numbers<[1], [1], [0], [0], [0, 0, 1, 0], [], []>, precision = #tpu.contract_precision<fp32>, transpose_lhs_hint = false} : vector<128x128xf32>, vector<64x128xf32>, vector<128x64xf32> -> vector<128x64xf32>
    %slice3A_270 = vector.extract_strided_slice %get3A_1 {offsets = [0, 11392], sizes = [64, 128], strides = [1, 1]} : vector<64x16384xf32> to vector<64x128xf32>
    %dot_general3A_271 = arith.constant dense<0.000000e+00> : vector<128x64xf32>
    %dot_general3A_272 = tpu.matmul %convert_element_type3A_3, %slice3A_270, %dot_general3A_271 {dimension_numbers = #tpu.dot_dimension_numbers<[1], [1], [0], [0], [0, 0, 1, 0], [], []>, precision = #tpu.contract_precision<fp32>, transpose_lhs_hint = false} : vector<128x128xf32>, vector<64x128xf32>, vector<128x64xf32> -> vector<128x64xf32>
    %slice3A_273 = vector.extract_strided_slice %get3A_1 {offsets = [0, 11520], sizes = [64, 128], strides = [1, 1]} : vector<64x16384xf32> to vector<64x128xf32>
    %dot_general3A_274 = arith.constant dense<0.000000e+00> : vector<128x64xf32>
    %dot_general3A_275 = tpu.matmul %convert_element_type3A_3, %slice3A_273, %dot_general3A_274 {dimension_numbers = #tpu.dot_dimension_numbers<[1], [1], [0], [0], [0, 0, 1, 0], [], []>, precision = #tpu.contract_precision<fp32>, transpose_lhs_hint = false} : vector<128x128xf32>, vector<64x128xf32>, vector<128x64xf32> -> vector<128x64xf32>
    %slice3A_276 = vector.extract_strided_slice %get3A_1 {offsets = [0, 11648], sizes = [64, 128], strides = [1, 1]} : vector<64x16384xf32> to vector<64x128xf32>
    %dot_general3A_277 = arith.constant dense<0.000000e+00> : vector<128x64xf32>
    %dot_general3A_278 = tpu.matmul %convert_element_type3A_3, %slice3A_276, %dot_general3A_277 {dimension_numbers = #tpu.dot_dimension_numbers<[1], [1], [0], [0], [0, 0, 1, 0], [], []>, precision = #tpu.contract_precision<fp32>, transpose_lhs_hint = false} : vector<128x128xf32>, vector<64x128xf32>, vector<128x64xf32> -> vector<128x64xf32>
    %slice3A_279 = vector.extract_strided_slice %get3A_1 {offsets = [0, 11776], sizes = [64, 128], strides = [1, 1]} : vector<64x16384xf32> to vector<64x128xf32>
    %dot_general3A_280 = arith.constant dense<0.000000e+00> : vector<128x64xf32>
    %dot_general3A_281 = tpu.matmul %convert_element_type3A_3, %slice3A_279, %dot_general3A_280 {dimension_numbers = #tpu.dot_dimension_numbers<[1], [1], [0], [0], [0, 0, 1, 0], [], []>, precision = #tpu.contract_precision<fp32>, transpose_lhs_hint = false} : vector<128x128xf32>, vector<64x128xf32>, vector<128x64xf32> -> vector<128x64xf32>
    %slice3A_282 = vector.extract_strided_slice %get3A_1 {offsets = [0, 11904], sizes = [64, 128], strides = [1, 1]} : vector<64x16384xf32> to vector<64x128xf32>
    %dot_general3A_283 = arith.constant dense<0.000000e+00> : vector<128x64xf32>
    %dot_general3A_284 = tpu.matmul %convert_element_type3A_3, %slice3A_282, %dot_general3A_283 {dimension_numbers = #tpu.dot_dimension_numbers<[1], [1], [0], [0], [0, 0, 1, 0], [], []>, precision = #tpu.contract_precision<fp32>, transpose_lhs_hint = false} : vector<128x128xf32>, vector<64x128xf32>, vector<128x64xf32> -> vector<128x64xf32>
    %slice3A_285 = vector.extract_strided_slice %get3A_1 {offsets = [0, 12032], sizes = [64, 128], strides = [1, 1]} : vector<64x16384xf32> to vector<64x128xf32>
    %dot_general3A_286 = arith.constant dense<0.000000e+00> : vector<128x64xf32>
    %dot_general3A_287 = tpu.matmul %convert_element_type3A_3, %slice3A_285, %dot_general3A_286 {dimension_numbers = #tpu.dot_dimension_numbers<[1], [1], [0], [0], [0, 0, 1, 0], [], []>, precision = #tpu.contract_precision<fp32>, transpose_lhs_hint = false} : vector<128x128xf32>, vector<64x128xf32>, vector<128x64xf32> -> vector<128x64xf32>
    %slice3A_288 = vector.extract_strided_slice %get3A_1 {offsets = [0, 12160], sizes = [64, 128], strides = [1, 1]} : vector<64x16384xf32> to vector<64x128xf32>
    %dot_general3A_289 = arith.constant dense<0.000000e+00> : vector<128x64xf32>
    %dot_general3A_290 = tpu.matmul %convert_element_type3A_3, %slice3A_288, %dot_general3A_289 {dimension_numbers = #tpu.dot_dimension_numbers<[1], [1], [0], [0], [0, 0, 1, 0], [], []>, precision = #tpu.contract_precision<fp32>, transpose_lhs_hint = false} : vector<128x128xf32>, vector<64x128xf32>, vector<128x64xf32> -> vector<128x64xf32>
    %slice3A_291 = vector.extract_strided_slice %get3A_1 {offsets = [0, 12288], sizes = [64, 128], strides = [1, 1]} : vector<64x16384xf32> to vector<64x128xf32>
    %dot_general3A_292 = arith.constant dense<0.000000e+00> : vector<128x64xf32>
    %dot_general3A_293 = tpu.matmul %convert_element_type3A_3, %slice3A_291, %dot_general3A_292 {dimension_numbers = #tpu.dot_dimension_numbers<[1], [1], [0], [0], [0, 0, 1, 0], [], []>, precision = #tpu.contract_precision<fp32>, transpose_lhs_hint = false} : vector<128x128xf32>, vector<64x128xf32>, vector<128x64xf32> -> vector<128x64xf32>
    %slice3A_294 = vector.extract_strided_slice %get3A_1 {offsets = [0, 12416], sizes = [64, 128], strides = [1, 1]} : vector<64x16384xf32> to vector<64x128xf32>
    %dot_general3A_295 = arith.constant dense<0.000000e+00> : vector<128x64xf32>
    %dot_general3A_296 = tpu.matmul %convert_element_type3A_3, %slice3A_294, %dot_general3A_295 {dimension_numbers = #tpu.dot_dimension_numbers<[1], [1], [0], [0], [0, 0, 1, 0], [], []>, precision = #tpu.contract_precision<fp32>, transpose_lhs_hint = false} : vector<128x128xf32>, vector<64x128xf32>, vector<128x64xf32> -> vector<128x64xf32>
    %slice3A_297 = vector.extract_strided_slice %get3A_1 {offsets = [0, 12544], sizes = [64, 128], strides = [1, 1]} : vector<64x16384xf32> to vector<64x128xf32>
    %dot_general3A_298 = arith.constant dense<0.000000e+00> : vector<128x64xf32>
    %dot_general3A_299 = tpu.matmul %convert_element_type3A_3, %slice3A_297, %dot_general3A_298 {dimension_numbers = #tpu.dot_dimension_numbers<[1], [1], [0], [0], [0, 0, 1, 0], [], []>, precision = #tpu.contract_precision<fp32>, transpose_lhs_hint = false} : vector<128x128xf32>, vector<64x128xf32>, vector<128x64xf32> -> vector<128x64xf32>
    %slice3A_300 = vector.extract_strided_slice %get3A_1 {offsets = [0, 12672], sizes = [64, 128], strides = [1, 1]} : vector<64x16384xf32> to vector<64x128xf32>
    %dot_general3A_301 = arith.constant dense<0.000000e+00> : vector<128x64xf32>
    %dot_general3A_302 = tpu.matmul %convert_element_type3A_3, %slice3A_300, %dot_general3A_301 {dimension_numbers = #tpu.dot_dimension_numbers<[1], [1], [0], [0], [0, 0, 1, 0], [], []>, precision = #tpu.contract_precision<fp32>, transpose_lhs_hint = false} : vector<128x128xf32>, vector<64x128xf32>, vector<128x64xf32> -> vector<128x64xf32>
    %slice3A_303 = vector.extract_strided_slice %get3A_1 {offsets = [0, 12800], sizes = [64, 128], strides = [1, 1]} : vector<64x16384xf32> to vector<64x128xf32>
    %dot_general3A_304 = arith.constant dense<0.000000e+00> : vector<128x64xf32>
    %dot_general3A_305 = tpu.matmul %convert_element_type3A_3, %slice3A_303, %dot_general3A_304 {dimension_numbers = #tpu.dot_dimension_numbers<[1], [1], [0], [0], [0, 0, 1, 0], [], []>, precision = #tpu.contract_precision<fp32>, transpose_lhs_hint = false} : vector<128x128xf32>, vector<64x128xf32>, vector<128x64xf32> -> vector<128x64xf32>
    %slice3A_306 = vector.extract_strided_slice %get3A_1 {offsets = [0, 12928], sizes = [64, 128], strides = [1, 1]} : vector<64x16384xf32> to vector<64x128xf32>
    %dot_general3A_307 = arith.constant dense<0.000000e+00> : vector<128x64xf32>
    %dot_general3A_308 = tpu.matmul %convert_element_type3A_3, %slice3A_306, %dot_general3A_307 {dimension_numbers = #tpu.dot_dimension_numbers<[1], [1], [0], [0], [0, 0, 1, 0], [], []>, precision = #tpu.contract_precision<fp32>, transpose_lhs_hint = false} : vector<128x128xf32>, vector<64x128xf32>, vector<128x64xf32> -> vector<128x64xf32>
    %slice3A_309 = vector.extract_strided_slice %get3A_1 {offsets = [0, 13056], sizes = [64, 128], strides = [1, 1]} : vector<64x16384xf32> to vector<64x128xf32>
    %dot_general3A_310 = arith.constant dense<0.000000e+00> : vector<128x64xf32>
    %dot_general3A_311 = tpu.matmul %convert_element_type3A_3, %slice3A_309, %dot_general3A_310 {dimension_numbers = #tpu.dot_dimension_numbers<[1], [1], [0], [0], [0, 0, 1, 0], [], []>, precision = #tpu.contract_precision<fp32>, transpose_lhs_hint = false} : vector<128x128xf32>, vector<64x128xf32>, vector<128x64xf32> -> vector<128x64xf32>
    %slice3A_312 = vector.extract_strided_slice %get3A_1 {offsets = [0, 13184], sizes = [64, 128], strides = [1, 1]} : vector<64x16384xf32> to vector<64x128xf32>
    %dot_general3A_313 = arith.constant dense<0.000000e+00> : vector<128x64xf32>
    %dot_general3A_314 = tpu.matmul %convert_element_type3A_3, %slice3A_312, %dot_general3A_313 {dimension_numbers = #tpu.dot_dimension_numbers<[1], [1], [0], [0], [0, 0, 1, 0], [], []>, precision = #tpu.contract_precision<fp32>, transpose_lhs_hint = false} : vector<128x128xf32>, vector<64x128xf32>, vector<128x64xf32> -> vector<128x64xf32>
    %slice3A_315 = vector.extract_strided_slice %get3A_1 {offsets = [0, 13312], sizes = [64, 128], strides = [1, 1]} : vector<64x16384xf32> to vector<64x128xf32>
    %dot_general3A_316 = arith.constant dense<0.000000e+00> : vector<128x64xf32>
    %dot_general3A_317 = tpu.matmul %convert_element_type3A_3, %slice3A_315, %dot_general3A_316 {dimension_numbers = #tpu.dot_dimension_numbers<[1], [1], [0], [0], [0, 0, 1, 0], [], []>, precision = #tpu.contract_precision<fp32>, transpose_lhs_hint = false} : vector<128x128xf32>, vector<64x128xf32>, vector<128x64xf32> -> vector<128x64xf32>
    %slice3A_318 = vector.extract_strided_slice %get3A_1 {offsets = [0, 13440], sizes = [64, 128], strides = [1, 1]} : vector<64x16384xf32> to vector<64x128xf32>
    %dot_general3A_319 = arith.constant dense<0.000000e+00> : vector<128x64xf32>
    %dot_general3A_320 = tpu.matmul %convert_element_type3A_3, %slice3A_318, %dot_general3A_319 {dimension_numbers = #tpu.dot_dimension_numbers<[1], [1], [0], [0], [0, 0, 1, 0], [], []>, precision = #tpu.contract_precision<fp32>, transpose_lhs_hint = false} : vector<128x128xf32>, vector<64x128xf32>, vector<128x64xf32> -> vector<128x64xf32>
    %slice3A_321 = vector.extract_strided_slice %get3A_1 {offsets = [0, 13568], sizes = [64, 128], strides = [1, 1]} : vector<64x16384xf32> to vector<64x128xf32>
    %dot_general3A_322 = arith.constant dense<0.000000e+00> : vector<128x64xf32>
    %dot_general3A_323 = tpu.matmul %convert_element_type3A_3, %slice3A_321, %dot_general3A_322 {dimension_numbers = #tpu.dot_dimension_numbers<[1], [1], [0], [0], [0, 0, 1, 0], [], []>, precision = #tpu.contract_precision<fp32>, transpose_lhs_hint = false} : vector<128x128xf32>, vector<64x128xf32>, vector<128x64xf32> -> vector<128x64xf32>
    %slice3A_324 = vector.extract_strided_slice %get3A_1 {offsets = [0, 13696], sizes = [64, 128], strides = [1, 1]} : vector<64x16384xf32> to vector<64x128xf32>
    %dot_general3A_325 = arith.constant dense<0.000000e+00> : vector<128x64xf32>
    %dot_general3A_326 = tpu.matmul %convert_element_type3A_3, %slice3A_324, %dot_general3A_325 {dimension_numbers = #tpu.dot_dimension_numbers<[1], [1], [0], [0], [0, 0, 1, 0], [], []>, precision = #tpu.contract_precision<fp32>, transpose_lhs_hint = false} : vector<128x128xf32>, vector<64x128xf32>, vector<128x64xf32> -> vector<128x64xf32>
    %slice3A_327 = vector.extract_strided_slice %get3A_1 {offsets = [0, 13824], sizes = [64, 128], strides = [1, 1]} : vector<64x16384xf32> to vector<64x128xf32>
    %dot_general3A_328 = arith.constant dense<0.000000e+00> : vector<128x64xf32>
    %dot_general3A_329 = tpu.matmul %convert_element_type3A_3, %slice3A_327, %dot_general3A_328 {dimension_numbers = #tpu.dot_dimension_numbers<[1], [1], [0], [0], [0, 0, 1, 0], [], []>, precision = #tpu.contract_precision<fp32>, transpose_lhs_hint = false} : vector<128x128xf32>, vector<64x128xf32>, vector<128x64xf32> -> vector<128x64xf32>
    %slice3A_330 = vector.extract_strided_slice %get3A_1 {offsets = [0, 13952], sizes = [64, 128], strides = [1, 1]} : vector<64x16384xf32> to vector<64x128xf32>
    %dot_general3A_331 = arith.constant dense<0.000000e+00> : vector<128x64xf32>
    %dot_general3A_332 = tpu.matmul %convert_element_type3A_3, %slice3A_330, %dot_general3A_331 {dimension_numbers = #tpu.dot_dimension_numbers<[1], [1], [0], [0], [0, 0, 1, 0], [], []>, precision = #tpu.contract_precision<fp32>, transpose_lhs_hint = false} : vector<128x128xf32>, vector<64x128xf32>, vector<128x64xf32> -> vector<128x64xf32>
    %slice3A_333 = vector.extract_strided_slice %get3A_1 {offsets = [0, 14080], sizes = [64, 128], strides = [1, 1]} : vector<64x16384xf32> to vector<64x128xf32>
    %dot_general3A_334 = arith.constant dense<0.000000e+00> : vector<128x64xf32>
    %dot_general3A_335 = tpu.matmul %convert_element_type3A_3, %slice3A_333, %dot_general3A_334 {dimension_numbers = #tpu.dot_dimension_numbers<[1], [1], [0], [0], [0, 0, 1, 0], [], []>, precision = #tpu.contract_precision<fp32>, transpose_lhs_hint = false} : vector<128x128xf32>, vector<64x128xf32>, vector<128x64xf32> -> vector<128x64xf32>
    %slice3A_336 = vector.extract_strided_slice %get3A_1 {offsets = [0, 14208], sizes = [64, 128], strides = [1, 1]} : vector<64x16384xf32> to vector<64x128xf32>
    %dot_general3A_337 = arith.constant dense<0.000000e+00> : vector<128x64xf32>
    %dot_general3A_338 = tpu.matmul %convert_element_type3A_3, %slice3A_336, %dot_general3A_337 {dimension_numbers = #tpu.dot_dimension_numbers<[1], [1], [0], [0], [0, 0, 1, 0], [], []>, precision = #tpu.contract_precision<fp32>, transpose_lhs_hint = false} : vector<128x128xf32>, vector<64x128xf32>, vector<128x64xf32> -> vector<128x64xf32>
    %slice3A_339 = vector.extract_strided_slice %get3A_1 {offsets = [0, 14336], sizes = [64, 128], strides = [1, 1]} : vector<64x16384xf32> to vector<64x128xf32>
    %dot_general3A_340 = arith.constant dense<0.000000e+00> : vector<128x64xf32>
    %dot_general3A_341 = tpu.matmul %convert_element_type3A_3, %slice3A_339, %dot_general3A_340 {dimension_numbers = #tpu.dot_dimension_numbers<[1], [1], [0], [0], [0, 0, 1, 0], [], []>, precision = #tpu.contract_precision<fp32>, transpose_lhs_hint = false} : vector<128x128xf32>, vector<64x128xf32>, vector<128x64xf32> -> vector<128x64xf32>
    %slice3A_342 = vector.extract_strided_slice %get3A_1 {offsets = [0, 14464], sizes = [64, 128], strides = [1, 1]} : vector<64x16384xf32> to vector<64x128xf32>
    %dot_general3A_343 = arith.constant dense<0.000000e+00> : vector<128x64xf32>
    %dot_general3A_344 = tpu.matmul %convert_element_type3A_3, %slice3A_342, %dot_general3A_343 {dimension_numbers = #tpu.dot_dimension_numbers<[1], [1], [0], [0], [0, 0, 1, 0], [], []>, precision = #tpu.contract_precision<fp32>, transpose_lhs_hint = false} : vector<128x128xf32>, vector<64x128xf32>, vector<128x64xf32> -> vector<128x64xf32>
    %slice3A_345 = vector.extract_strided_slice %get3A_1 {offsets = [0, 14592], sizes = [64, 128], strides = [1, 1]} : vector<64x16384xf32> to vector<64x128xf32>
    %dot_general3A_346 = arith.constant dense<0.000000e+00> : vector<128x64xf32>
    %dot_general3A_347 = tpu.matmul %convert_element_type3A_3, %slice3A_345, %dot_general3A_346 {dimension_numbers = #tpu.dot_dimension_numbers<[1], [1], [0], [0], [0, 0, 1, 0], [], []>, precision = #tpu.contract_precision<fp32>, transpose_lhs_hint = false} : vector<128x128xf32>, vector<64x128xf32>, vector<128x64xf32> -> vector<128x64xf32>
    %slice3A_348 = vector.extract_strided_slice %get3A_1 {offsets = [0, 14720], sizes = [64, 128], strides = [1, 1]} : vector<64x16384xf32> to vector<64x128xf32>
    %dot_general3A_349 = arith.constant dense<0.000000e+00> : vector<128x64xf32>
    %dot_general3A_350 = tpu.matmul %convert_element_type3A_3, %slice3A_348, %dot_general3A_349 {dimension_numbers = #tpu.dot_dimension_numbers<[1], [1], [0], [0], [0, 0, 1, 0], [], []>, precision = #tpu.contract_precision<fp32>, transpose_lhs_hint = false} : vector<128x128xf32>, vector<64x128xf32>, vector<128x64xf32> -> vector<128x64xf32>
    %slice3A_351 = vector.extract_strided_slice %get3A_1 {offsets = [0, 14848], sizes = [64, 128], strides = [1, 1]} : vector<64x16384xf32> to vector<64x128xf32>
    %dot_general3A_352 = arith.constant dense<0.000000e+00> : vector<128x64xf32>
    %dot_general3A_353 = tpu.matmul %convert_element_type3A_3, %slice3A_351, %dot_general3A_352 {dimension_numbers = #tpu.dot_dimension_numbers<[1], [1], [0], [0], [0, 0, 1, 0], [], []>, precision = #tpu.contract_precision<fp32>, transpose_lhs_hint = false} : vector<128x128xf32>, vector<64x128xf32>, vector<128x64xf32> -> vector<128x64xf32>
    %slice3A_354 = vector.extract_strided_slice %get3A_1 {offsets = [0, 14976], sizes = [64, 128], strides = [1, 1]} : vector<64x16384xf32> to vector<64x128xf32>
    %dot_general3A_355 = arith.constant dense<0.000000e+00> : vector<128x64xf32>
    %dot_general3A_356 = tpu.matmul %convert_element_type3A_3, %slice3A_354, %dot_general3A_355 {dimension_numbers = #tpu.dot_dimension_numbers<[1], [1], [0], [0], [0, 0, 1, 0], [], []>, precision = #tpu.contract_precision<fp32>, transpose_lhs_hint = false} : vector<128x128xf32>, vector<64x128xf32>, vector<128x64xf32> -> vector<128x64xf32>
    %slice3A_357 = vector.extract_strided_slice %get3A_1 {offsets = [0, 15104], sizes = [64, 128], strides = [1, 1]} : vector<64x16384xf32> to vector<64x128xf32>
    %dot_general3A_358 = arith.constant dense<0.000000e+00> : vector<128x64xf32>
    %dot_general3A_359 = tpu.matmul %convert_element_type3A_3, %slice3A_357, %dot_general3A_358 {dimension_numbers = #tpu.dot_dimension_numbers<[1], [1], [0], [0], [0, 0, 1, 0], [], []>, precision = #tpu.contract_precision<fp32>, transpose_lhs_hint = false} : vector<128x128xf32>, vector<64x128xf32>, vector<128x64xf32> -> vector<128x64xf32>
    %slice3A_360 = vector.extract_strided_slice %get3A_1 {offsets = [0, 15232], sizes = [64, 128], strides = [1, 1]} : vector<64x16384xf32> to vector<64x128xf32>
    %dot_general3A_361 = arith.constant dense<0.000000e+00> : vector<128x64xf32>
    %dot_general3A_362 = tpu.matmul %convert_element_type3A_3, %slice3A_360, %dot_general3A_361 {dimension_numbers = #tpu.dot_dimension_numbers<[1], [1], [0], [0], [0, 0, 1, 0], [], []>, precision = #tpu.contract_precision<fp32>, transpose_lhs_hint = false} : vector<128x128xf32>, vector<64x128xf32>, vector<128x64xf32> -> vector<128x64xf32>
    %slice3A_363 = vector.extract_strided_slice %get3A_1 {offsets = [0, 15360], sizes = [64, 128], strides = [1, 1]} : vector<64x16384xf32> to vector<64x128xf32>
    %dot_general3A_364 = arith.constant dense<0.000000e+00> : vector<128x64xf32>
    %dot_general3A_365 = tpu.matmul %convert_element_type3A_3, %slice3A_363, %dot_general3A_364 {dimension_numbers = #tpu.dot_dimension_numbers<[1], [1], [0], [0], [0, 0, 1, 0], [], []>, precision = #tpu.contract_precision<fp32>, transpose_lhs_hint = false} : vector<128x128xf32>, vector<64x128xf32>, vector<128x64xf32> -> vector<128x64xf32>
    %slice3A_366 = vector.extract_strided_slice %get3A_1 {offsets = [0, 15488], sizes = [64, 128], strides = [1, 1]} : vector<64x16384xf32> to vector<64x128xf32>
    %dot_general3A_367 = arith.constant dense<0.000000e+00> : vector<128x64xf32>
    %dot_general3A_368 = tpu.matmul %convert_element_type3A_3, %slice3A_366, %dot_general3A_367 {dimension_numbers = #tpu.dot_dimension_numbers<[1], [1], [0], [0], [0, 0, 1, 0], [], []>, precision = #tpu.contract_precision<fp32>, transpose_lhs_hint = false} : vector<128x128xf32>, vector<64x128xf32>, vector<128x64xf32> -> vector<128x64xf32>
    %slice3A_369 = vector.extract_strided_slice %get3A_1 {offsets = [0, 15616], sizes = [64, 128], strides = [1, 1]} : vector<64x16384xf32> to vector<64x128xf32>
    %dot_general3A_370 = arith.constant dense<0.000000e+00> : vector<128x64xf32>
    %dot_general3A_371 = tpu.matmul %convert_element_type3A_3, %slice3A_369, %dot_general3A_370 {dimension_numbers = #tpu.dot_dimension_numbers<[1], [1], [0], [0], [0, 0, 1, 0], [], []>, precision = #tpu.contract_precision<fp32>, transpose_lhs_hint = false} : vector<128x128xf32>, vector<64x128xf32>, vector<128x64xf32> -> vector<128x64xf32>
    %slice3A_372 = vector.extract_strided_slice %get3A_1 {offsets = [0, 15744], sizes = [64, 128], strides = [1, 1]} : vector<64x16384xf32> to vector<64x128xf32>
    %dot_general3A_373 = arith.constant dense<0.000000e+00> : vector<128x64xf32>
    %dot_general3A_374 = tpu.matmul %convert_element_type3A_3, %slice3A_372, %dot_general3A_373 {dimension_numbers = #tpu.dot_dimension_numbers<[1], [1], [0], [0], [0, 0, 1, 0], [], []>, precision = #tpu.contract_precision<fp32>, transpose_lhs_hint = false} : vector<128x128xf32>, vector<64x128xf32>, vector<128x64xf32> -> vector<128x64xf32>
    %slice3A_375 = vector.extract_strided_slice %get3A_1 {offsets = [0, 15872], sizes = [64, 128], strides = [1, 1]} : vector<64x16384xf32> to vector<64x128xf32>
    %dot_general3A_376 = arith.constant dense<0.000000e+00> : vector<128x64xf32>
    %dot_general3A_377 = tpu.matmul %convert_element_type3A_3, %slice3A_375, %dot_general3A_376 {dimension_numbers = #tpu.dot_dimension_numbers<[1], [1], [0], [0], [0, 0, 1, 0], [], []>, precision = #tpu.contract_precision<fp32>, transpose_lhs_hint = false} : vector<128x128xf32>, vector<64x128xf32>, vector<128x64xf32> -> vector<128x64xf32>
    %slice3A_378 = vector.extract_strided_slice %get3A_1 {offsets = [0, 16000], sizes = [64, 128], strides = [1, 1]} : vector<64x16384xf32> to vector<64x128xf32>
    %dot_general3A_379 = arith.constant dense<0.000000e+00> : vector<128x64xf32>
    %dot_general3A_380 = tpu.matmul %convert_element_type3A_3, %slice3A_378, %dot_general3A_379 {dimension_numbers = #tpu.dot_dimension_numbers<[1], [1], [0], [0], [0, 0, 1, 0], [], []>, precision = #tpu.contract_precision<fp32>, transpose_lhs_hint = false} : vector<128x128xf32>, vector<64x128xf32>, vector<128x64xf32> -> vector<128x64xf32>
    %slice3A_381 = vector.extract_strided_slice %get3A_1 {offsets = [0, 16128], sizes = [64, 128], strides = [1, 1]} : vector<64x16384xf32> to vector<64x128xf32>
    %dot_general3A_382 = arith.constant dense<0.000000e+00> : vector<128x64xf32>
    %dot_general3A_383 = tpu.matmul %convert_element_type3A_3, %slice3A_381, %dot_general3A_382 {dimension_numbers = #tpu.dot_dimension_numbers<[1], [1], [0], [0], [0, 0, 1, 0], [], []>, precision = #tpu.contract_precision<fp32>, transpose_lhs_hint = false} : vector<128x128xf32>, vector<64x128xf32>, vector<128x64xf32> -> vector<128x64xf32>
    %slice3A_384 = vector.extract_strided_slice %get3A_1 {offsets = [0, 16256], sizes = [64, 128], strides = [1, 1]} : vector<64x16384xf32> to vector<64x128xf32>
    %dot_general3A_385 = arith.constant dense<0.000000e+00> : vector<128x64xf32>
    %dot_general3A_386 = tpu.matmul %convert_element_type3A_3, %slice3A_384, %dot_general3A_385 {dimension_numbers = #tpu.dot_dimension_numbers<[1], [1], [0], [0], [0, 0, 1, 0], [], []>, precision = #tpu.contract_precision<fp32>, transpose_lhs_hint = false} : vector<128x128xf32>, vector<64x128xf32>, vector<128x64xf32> -> vector<128x64xf32>
    %concatenate3A = tpu.concatenate %dot_general3A_5, %dot_general3A_8, %dot_general3A_11, %dot_general3A_14, %dot_general3A_17, %dot_general3A_20, %dot_general3A_23, %dot_general3A_26, %dot_general3A_29, %dot_general3A_32, %dot_general3A_35, %dot_general3A_38, %dot_general3A_41, %dot_general3A_44, %dot_general3A_47, %dot_general3A_50, %dot_general3A_53, %dot_general3A_56, %dot_general3A_59, %dot_general3A_62, %dot_general3A_65, %dot_general3A_68, %dot_general3A_71, %dot_general3A_74, %dot_general3A_77, %dot_general3A_80, %dot_general3A_83, %dot_general3A_86, %dot_general3A_89, %dot_general3A_92, %dot_general3A_95, %dot_general3A_98, %dot_general3A_101, %dot_general3A_104, %dot_general3A_107, %dot_general3A_110, %dot_general3A_113, %dot_general3A_116, %dot_general3A_119, %dot_general3A_122, %dot_general3A_125, %dot_general3A_128, %dot_general3A_131, %dot_general3A_134, %dot_general3A_137, %dot_general3A_140, %dot_general3A_143, %dot_general3A_146, %dot_general3A_149, %dot_general3A_152, %dot_general3A_155, %dot_general3A_158, %dot_general3A_161, %dot_general3A_164, %dot_general3A_167, %dot_general3A_170, %dot_general3A_173, %dot_general3A_176, %dot_general3A_179, %dot_general3A_182, %dot_general3A_185, %dot_general3A_188, %dot_general3A_191, %dot_general3A_194, %dot_general3A_197, %dot_general3A_200, %dot_general3A_203, %dot_general3A_206, %dot_general3A_209, %dot_general3A_212, %dot_general3A_215, %dot_general3A_218, %dot_general3A_221, %dot_general3A_224, %dot_general3A_227, %dot_general3A_230, %dot_general3A_233, %dot_general3A_236, %dot_general3A_239, %dot_general3A_242, %dot_general3A_245, %dot_general3A_248, %dot_general3A_251, %dot_general3A_254, %dot_general3A_257, %dot_general3A_260, %dot_general3A_263, %dot_general3A_266, %dot_general3A_269, %dot_general3A_272, %dot_general3A_275, %dot_general3A_278, %dot_general3A_281, %dot_general3A_284, %dot_general3A_287, %dot_general3A_290, %dot_general3A_293, %dot_general3A_296, %dot_general3A_299, %dot_general3A_302, %dot_general3A_305, %dot_general3A_308, %dot_general3A_311, %dot_general3A_314, %dot_general3A_317, %dot_general3A_320, %dot_general3A_323, %dot_general3A_326, %dot_general3A_329, %dot_general3A_332, %dot_general3A_335, %dot_general3A_338, %dot_general3A_341, %dot_general3A_344, %dot_general3A_347, %dot_general3A_350, %dot_general3A_353, %dot_general3A_356, %dot_general3A_359, %dot_general3A_362, %dot_general3A_365, %dot_general3A_368, %dot_general3A_371, %dot_general3A_374, %dot_general3A_377, %dot_general3A_380, %dot_general3A_383, %dot_general3A_386 in 0 : vector<128x64xf32>, vector<128x64xf32>, vector<128x64xf32>, vector<128x64xf32>, vector<128x64xf32>, vector<128x64xf32>, vector<128x64xf32>, vector<128x64xf32>, vector<128x64xf32>, vector<128x64xf32>, vector<128x64xf32>, vector<128x64xf32>, vector<128x64xf32>, vector<128x64xf32>, vector<128x64xf32>, vector<128x64xf32>, vector<128x64xf32>, vector<128x64xf32>, vector<128x64xf32>, vector<128x64xf32>, vector<128x64xf32>, vector<128x64xf32>, vector<128x64xf32>, vector<128x64xf32>, vector<128x64xf32>, vector<128x64xf32>, vector<128x64xf32>, vector<128x64xf32>, vector<128x64xf32>, vector<128x64xf32>, vector<128x64xf32>, vector<128x64xf32>, vector<128x64xf32>, vector<128x64xf32>, vector<128x64xf32>, vector<128x64xf32>, vector<128x64xf32>, vector<128x64xf32>, vector<128x64xf32>, vector<128x64xf32>, vector<128x64xf32>, vector<128x64xf32>, vector<128x64xf32>, vector<128x64xf32>, vector<128x64xf32>, vector<128x64xf32>, vector<128x64xf32>, vector<128x64xf32>, vector<128x64xf32>, vector<128x64xf32>, vector<128x64xf32>, vector<128x64xf32>, vector<128x64xf32>, vector<128x64xf32>, vector<128x64xf32>, vector<128x64xf32>, vector<128x64xf32>, vector<128x64xf32>, vector<128x64xf32>, vector<128x64xf32>, vector<128x64xf32>, vector<128x64xf32>, vector<128x64xf32>, vector<128x64xf32>, vector<128x64xf32>, vector<128x64xf32>, vector<128x64xf32>, vector<128x64xf32>, vector<128x64xf32>, vector<128x64xf32>, vector<128x64xf32>, vector<128x64xf32>, vector<128x64xf32>, vector<128x64xf32>, vector<128x64xf32>, vector<128x64xf32>, vector<128x64xf32>, vector<128x64xf32>, vector<128x64xf32>, vector<128x64xf32>, vector<128x64xf32>, vector<128x64xf32>, vector<128x64xf32>, vector<128x64xf32>, vector<128x64xf32>, vector<128x64xf32>, vector<128x64xf32>, vector<128x64xf32>, vector<128x64xf32>, vector<128x64xf32>, vector<128x64xf32>, vector<128x64xf32>, vector<128x64xf32>, vector<128x64xf32>, vector<128x64xf32>, vector<128x64xf32>, vector<128x64xf32>, vector<128x64xf32>, vector<128x64xf32>, vector<128x64xf32>, vector<128x64xf32>, vector<128x64xf32>, vector<128x64xf32>, vector<128x64xf32>, vector<128x64xf32>, vector<128x64xf32>, vector<128x64xf32>, vector<128x64xf32>, vector<128x64xf32>, vector<128x64xf32>, vector<128x64xf32>, vector<128x64xf32>, vector<128x64xf32>, vector<128x64xf32>, vector<128x64xf32>, vector<128x64xf32>, vector<128x64xf32>, vector<128x64xf32>, vector<128x64xf32>, vector<128x64xf32>, vector<128x64xf32>, vector<128x64xf32>, vector<128x64xf32>, vector<128x64xf32>, vector<128x64xf32>, vector<128x64xf32>, vector<128x64xf32>, vector<128x64xf32> -> vector<16384x64xf32>
    %concatenate3A_387 = tpu.concatenate %concatenate3A, %broadcast_in_dim3A_4 in 1 : vector<16384x64xf32>, vector<16384x64xf32> -> vector<16384x128xf32>
    %swap3A = arith.constant 0 : index
    %swap3A_388 = arith.constant 0 : index
    %swap3A_389 = vector.load %arg2[%swap3A, %swap3A_388] : memref<16384x128xf32, #tpu.memory_space<vmem>>, vector<16384x128xf32>
    tpu.vector_store %arg2[%swap3A, %swap3A_388], %concatenate3A_387 {strides = array<i32>} : memref<16384x128xf32, #tpu.memory_space<vmem>>, vector<16384x128xf32>,
    return
  }
  func.func @transform_0(%arg0: i32) -> (i32, i32) {
    %c0_i32 = arith.constant 0 : i32
    %c0_i32_0 = arith.constant 0 : i32
    return %c0_i32, %arg0 : i32, i32
  }
  func.func @transform_1(%arg0: i32) -> (i32, i32) {
    %c0_i32 = arith.constant 0 : i32
    %c0_i32_0 = arith.constant 0 : i32
    return %arg0, %c0_i32 : i32, i32
  }
}

</mosaic_0001>

<sc_bundles>
// kernel: kernel.4.cloned.1.call-start
scs
__scs_entry_jumppad:
0x0: {  	(pc) =	sbr.rel $0x88, $3  }
0x1: {  	(tag) =	ssettag $0x0;
	lr =	simm.s32 $0x1  }
0x2: {  	[smem:$0x3F9F] =	sst lr;
	_ =	strace $0xD0000000  }
0x3: {  	_ = 	snop  }
0x4: {  	_ = 	snop  }
0x5: {  	_ = 	snop  }
0x6: {  	_ = 	snop  }
0x7: {  	_ = 	snop  }
__scs_overlays_trampoline_lowered:
0x8: {  	[smem:$0x3FAE] =	sst s0  }
0x9: {  	[smem:$0x3FAF] =	sst s1  }
0xa: {  	[smem:$0x3FB0] =	sst s2  }
0xb: {  	[smem:$0x3FB1] =	sst s3  }
0xc: {  	[smem:$0x3FB2] =	sst s4  }
0xd: {  	[smem:$0x3FB3] =	sst s5  }
0xe: {  	[smem:$0x3FB4] =	sst s6  }
0xf: {  	[smem:$0x3FB5] =	sst s7  }
0x10: {  	[smem:$0x3FB6] =	sst s8  }
0x11: {  	[smem:$0x3FB7] =	sst s9;
	s0 =	simm.s32 @!p0 $0x0  }
0x12: {  	s1 =	sld [smem:$0x3F9D];
	s0 =	simm.s32 @p0 $0x1  }
0x13: {  	[smem:$0x3FB8] =	sst s0;
	s0 =	simm.s32 @!p1 $0x0  }
0x14: {  	s2 =	sld [smem:$0x3F9C];
	s0 =	simm.s32 @p1 $0x1  }
0x15: {  	[smem:$0x3FB9] =	sst s0;
	s0 =	simm.s32 @!p2 $0x0  }
0x16: {  	s3 =	sld [smem:$0x3FDB];
	s0 =	simm.s32 @p2 $0x1  }
0x17: {  	s4 =	simm.s32 $0x1BF5;
	[smem:$0x3FBB] =	sst s0  }
0x18: {  	s0 =	sld [smem:$0x3F9E];
	_ =	swait.ge [sflag:s4], $0x0  }
0x19: {  	s7 =	sld [smem:$0x3F9F]  }
0x1a: {  	s8 =	sadd.s32 $0xFFFFE003, lr  }
0x1b: {  	s9 =	sadd.s32 $0xFFFFFEF7, lr;
	s5 =	simm.s32 $0xFFFFFFFF;
	p2 =	slt.u32 s8, $0xFFFFF086  }
0x1c: {  	p1 =	slt.u32 s9, $0xF7A;
	s5 =	simm.s32 @!p2 $0x0  }
0x1d: {  	s5 =	simm.s32 @p1 $0x1;
	p0 =	seq.s32 s7, s2  }
0x1e: {  	s7 =	smul.u32 @!p0 $0xF7A, s2;
	p2 =	seq.s32 @!p0 s5, $0x0  }
0x1f: {  	s9 =	smul.u32 $0xF7A, s1;
	s8 =	simm.s32 @!p0 $0x1BF5;
	p2 =	por !p2, p0  }
0x20: {  	[sflag:s8] =	ssyncset.s32 @!p0 $0xFFFFF086;
	s6 =	sadd.s32 @!p0 s3, s7;
	s7 =	simm.s32 @!p0 $0x108  }
0x21: {  	s3 =	sadd.s32 s3, s9;
	s6 =	sadd.s32 @!p0 $0x88, s6;
	s7 =	simm.s32 @p2 $0x1082  }
0x22: {  	[simem:s7], [sflag:s8] =	dma.local @!p0 [hbm:s6], $0xF7A  }
0x23: {  	s9 =	sor.u32 $0xD0000000, s2;
	s6 =	simm.s32 $0x108;
	_ =	swait.ge @!p0 [sflag:s8], $0x0  }
0x24: {  	s3 =	sadd.s32 $0x88, s3;
	s6 =	simm.s32 @!p1 $0x1082;
	[sflag:s4] =	ssyncset.s32 $0xFFFFF086  }
0x25: {  	[simem:s6], [sflag:s4] =	dma.local [hbm:s3], $0xF7A  }
0x26: {  	[smem:$0x3F9F] =	sst s1;
	(tag) =	ssettag s2;
	_ =	strace s9  }
0x27: {  	s1 =	sld [smem:$0x3FAF]  }
0x28: {  	s2 =	sld [smem:$0x3FB0]  }
0x29: {  	s4 =	sld [smem:$0x3FB2]  }
0x2a: {  	p0 =	seq.s32 s5, $0x0;
	s5 =	sld [smem:$0x3FB3]  }
0x2b: {  	s6 =	sld [smem:$0x3FB4]  }
0x2c: {  	s7 =	sld [smem:$0x3FB5]  }
0x2d: {  	s3 =	simm.s32 $0x108;
	s8 =	sld [smem:$0x3FB6]  }
0x2e: {  	s3 =	simm.s32 @!p0 $0x1082;
	s9 =	sld [smem:$0x3FB7]  }
0x2f: {  	lr =	sadd.s32 s0, s3;
	s0 =	sld [smem:$0x3FAE]  }
0x30: {  	s3 =	sld [smem:$0x3FB1]  }
0x31: {  	[smem:$0x3FBA] =	sst s10  }
0x32: {  	s10 =	sld [smem:$0x3FB8];
	_ =	sdelay $0x3  }
0x33: {  	p0 =	seq.s32 s10, $0x1;
	s10 =	sld [smem:$0x3FBA];
	_ =	sdelay $0x3  }
0x34: {  	[smem:$0x3FBA] =	sst s10  }
0x35: {  	s10 =	sld [smem:$0x3FB9];
	_ =	sdelay $0x3  }
0x36: {  	p1 =	seq.s32 s10, $0x1;
	s10 =	sld [smem:$0x3FBA];
	_ =	sdelay $0x3  }
0x37: {  	[smem:$0x3FBA] =	sst s10  }
0x38: {  	s10 =	sld [smem:$0x3FBB]  }
0x39: {  	_ = 	snop;
	(pc) =	sbr.ind lr, $3  }
0x3a: {  	_ = 	snop  }
0x3b: {  	_ = 	snop  }
0x3c: {  	p2 =	seq.s32 s10, $0x1;
	s10 =	sld [smem:$0x3FBA]  }
0x3d: {  	_ =	shalt  }
0x3e: {  	_ =	shalt  }
0x3f: {  	_ =	shalt  }
0x40: {  	_ =	shalt  }
0x41: {  	_ =	shalt  }
0x42: {  	_ =	shalt  }
0x43: {  	_ =	shalt  }
0x44: {  	_ =	shalt  }
0x45: {  	_ =	shalt  }
0x46: {  	_ =	shalt  }
0x47: {  	_ =	shalt  }
0x48: {  	_ =	shalt  }
0x49: {  	_ =	shalt  }
0x4a: {  	_ =	shalt  }
0x4b: {  	_ =	shalt  }
0x4c: {  	_ =	shalt  }
0x4d: {  	_ =	shalt  }
0x4e: {  	_ =	shalt  }
0x4f: {  	_ =	shalt  }
0x50: {  	_ =	shalt  }
0x51: {  	_ =	shalt  }
0x52: {  	_ =	shalt  }
0x53: {  	_ =	shalt  }
0x54: {  	_ =	shalt  }
0x55: {  	_ =	shalt  }
0x56: {  	_ =	shalt  }
0x57: {  	_ =	shalt  }
0x58: {  	_ =	shalt  }
0x59: {  	_ =	shalt  }
0x5a: {  	_ =	shalt  }
0x5b: {  	_ =	shalt  }
0x5c: {  	_ =	shalt  }
0x5d: {  	_ =	shalt  }
0x5e: {  	_ =	shalt  }
0x5f: {  	_ =	shalt  }
0x60: {  	_ =	shalt  }
0x61: {  	_ =	shalt  }
0x62: {  	_ =	shalt  }
0x63: {  	_ =	shalt  }
0x64: {  	_ =	shalt  }
0x65: {  	_ =	shalt  }
0x66: {  	_ =	shalt  }
0x67: {  	_ =	shalt  }
0x68: {  	_ =	shalt  }
0x69: {  	_ =	shalt  }
0x6a: {  	_ =	shalt  }
0x6b: {  	_ =	shalt  }
0x6c: {  	_ =	shalt  }
0x6d: {  	_ =	shalt  }
0x6e: {  	_ =	shalt  }
0x6f: {  	_ =	shalt  }
0x70: {  	_ =	shalt  }
0x71: {  	_ =	shalt  }
0x72: {  	_ =	shalt  }
0x73: {  	_ =	shalt  }
0x74: {  	_ =	shalt  }
0x75: {  	_ =	shalt  }
0x76: {  	_ =	shalt  }
0x77: {  	_ =	shalt  }
0x78: {  	_ =	shalt  }
0x79: {  	_ =	shalt  }
0x7a: {  	_ =	shalt  }
0x7b: {  	_ =	shalt  }
0x7c: {  	_ =	shalt  }
0x7d: {  	_ =	shalt  }
0x7e: {  	_ =	shalt  }
0x7f: {  	_ =	shalt  }
0x80: {  	_ =	shalt  }
0x81: {  	_ =	shalt  }
0x82: {  	_ =	shalt  }
0x83: {  	_ =	shalt  }
0x84: {  	_ =	shalt  }
0x85: {  	_ =	shalt  }
0x86: {  	_ =	shalt  }
0x87: {  	_ =	shalt  }
.Lfunc_end0:
.L_simem_size_0:
called_computation_lowered:
.L_overlay_start_0:
0x88: {  	s2 =	sld [smem:$0x3FD9]  }
0x89: {  	s3 =	sld [smem:$0x3FFE];
	_ =	sdelay $0x1  }
0x8a: {  	s1 =	srdreg.scid  }
0x8b: {  	s0 =	sand.u32 $0x1, s1  }
0x8c: {  	s17 =	sshll.u32 s0, $0xA;
	s2 =	sadd.s32 s3, s2  }
0x8d: {  	s2 =	sadd.s32 s2, s17  }
0x8e: {  	[smem:$0x3FC6] =	sst s2  }
0x8f: {  	_ = 	snop  }
0x90: {  	s2 =	sld [smem:$0x3FD0];
	(tm) =	ssettm $0x1  }
0x91: {  	s18 =	sld [smem:$0x3FFB];
	_ =	sdelay $0x3  }
0x92: {  	_ =	strace s18  }
0x93: {  	s3 =	sld [smem:$0x3FFC];
	_ =	sdelay $0x3  }
0x94: {  	_ =	strace s3  }
0x95: {  	s3 =	sld [smem:$0x3FFD];
	_ =	sdelay $0x3  }
0x96: {  	_ =	strace s3  }
0x97: {  	_ =	strace $0x8FFFFFFF  }
0x98: {  	s19 =	sld [smem:$0x3FDB];
	_ =	sdelay $0x1  }
0x99: {  	s4 =	simm.s32 $_scs_section_size  }
0x9a: {  	s5 =	simm.s32 $_size__tile_overlayer_lowered;
	s6 =	simm.s32 $_tile_overlayer_lowered  }
0x9b: {  	s22 =	simm.s32 $0x1BFF;
	s21 =	sshll.u32 s6, $0x1;
	s3 =	sadd.s32 s4, s19  }
0x9c: {  	s7 =	simm.s32 $0x0;
	s20 =	sshll.u32 s5, $0x1;
	s5 =	sadd.s32 s21, s3  }
0x9d: {  	[timem:s7], [sflag:s22] =	dma.local [hbm:s5], s20  }
0x9e: {  	_ =	swait.ge [sflag:s22], s20  }
0x9f: {  	s4 =	ssub.s32 $0x0, s20;
	[sflag:s22] =	ssyncset.done $0x0  }
0xa0: {  	[sflag:s22] =	ssyncadd.s32 s4;
	_ =	sdelay $0x1  }
0xa1: {  	s23 =	simm.s32 $0x1B8B  }
0xa2: {  	_ =	swait.ge [sflag:s23], $0x1  }
0xa3: {  	[sflag:s23] =	ssyncset.done $0x0  }
0xa4: {  	s25 =	simm.s32 $0x1B8E;
	s24 =	sld [smem:$0x3FFE];
	[sflag:s23] =	ssyncadd.s32 $0xFFFFFFFF  }
0xa5: {  	s26 =	simm.s32 $execute0_lowered;
	[smem:$0x3FD2] =	sst s25  }
0xa6: {  	s5 =	sshll.u32 s26, $0x1;
	_ =	strace $0x80000046;
	[dreg:$0x1] =	wrdreg $0xFFFFFFFF  }
0xa7: {  	s28 =	simm.s32 $_size_execute0_lowered;
	s3 =	sadd.s32 s3, s5;
	[dreg:$0x0] =	wrdreg $0x0  }
0xa8: {  	s5 =	sshll.u32 s28, $0x1;
	[dreg:$0x2] =	wrdreg s3  }
0xa9: {  	[dreg:$0x3] =	wrdreg s5  }
0xaa: {  	[dreg:$0x4] =	wrdreg $0xC0  }
0xab: {  	_ =	task [dreg:s7], $0x5FFFF  }
0xac: {  	[dreg:$0x1] =	wrdreg $0xFFFFFFFF  }
0xad: {  	[dreg:$0x0] =	wrdreg $0x60  }
0xae: {  	[dreg:$0x2] =	wrdreg s24  }
0xaf: {  	[dreg:$0x3] =	wrdreg s2  }
0xb0: {  	[dreg:$0x4] =	wrdreg $0x9  }
0xb1: {  	_ =	task.clear_ibuf [dreg:s7], $0x5FFFF;
	_ =	strace $0x90000046  }
0xb2: {  	s29 =	simm.s32 $0x9;
	_ =	strace $0x80000048  }
0xb3: {  	_ =	swait.ge [sflag:s29], $0x1  }
0xb4: {  	[sflag:s29] =	ssyncadd.s32 $0xFFFFFFFF  }
0xb5: {  	_ =	strace $0x90000048  }
0xb6: {  	_ =	sfence  }
0xb7: {  	s30 =	sld [smem:$0x0];
	_ =	sdelay $0x2  }
0xb8: {  	s31 =	sshll.u32 s1, $0xD;
	s1 =	sshrl.u32 s1, $0x2  }
0xb9: {  	s3 =	sand.u32 $0x4000, s31;
	s1 =	sadd.s32 s1, s30  }
0xba: {  	s0 =	sor.u32 s3, s0;
	s1 =	sshll.u32 s1, $0x11  }
0xbb: {  	s0 =	sor.u32 s1, s0  }
0xbc: {  	s0 =	sadd.s32 $0x8F2B, s0  }
0xbd: {  	[sflag:s0] =	ssyncadd.remote.s32 $0x1  }
0xbe: {  	_ =	sfence.sel $0xFFFF  }
0xbf: {  	[dreg:$0x0] =	wrdreg $0xFFFFFFFF;
	(pc) =	sbr.abs _section_cstart, $3  }
0xc0: {  	[dreg:$0x1] =	wrdreg $0xFFFFFFFF  }
0xc1: {  	_ =	task.clear_ibuf [dreg:s7], $0x2FFFF;
	_ =	strace $0x9FFFFFFF  }
0xc2: {  	(tm) =	ssettm $0x7FFFFFFF  }
0xc3: {  	_ =	shalt  }
tec
execute0_lowered:
.L_overlay_start_1:
0x0: {  	(tag) =	ssettag $0x1  }
0x1: {  	v0 =	vimm.s32 $0xB80  }
0x2: {  	vm14 =	vcmask $0x300;
	vm13 =	vcmask $0x704;
	vm12 =	vcmask $0xB08  }
0x3: {  	vm11 =	vcmask $0xF0C;
	vm10 =	vcmask $0x1310;
	vm9 =	vcmask $0x1714  }
0x4: {  	vm8 =	vcmask $0x1B18;
	vm7 =	vcmask $0x1F1C;
	vm6 =	vcmask $0x2320  }
0x5: {  	vm5 =	vcmask $0x2724;
	vm4 =	vcmask $0x2B28;
	vm3 =	vcmask $0x2F2C  }
0x6: {  	vm2 =	vcmask $0x3330;
	vm1 =	vcmask $0x3734;
	vm0 =	vcmask $0x3B38  }
0x7: {  	v1 =	vimm.s32 $0x1B80;
	v2 =	vimm.s32 $0x2B80;
	v3 =	vimm.s32 $0x3B80  }
0x8: {  	v0 =	vsel vm14, $0x0, v0;
	v1 =	vsel vm14, $0x1000, v1;
	v2 =	vsel vm14, $0x2000, v2  }
0x9: {  	v3 =	vsel vm14, $0x3000, v3;
	v0 =	vsel vm13, $0x80, v0;
	v1 =	vsel vm13, $0x1080, v1  }
0xa: {  	v2 =	vsel vm13, $0x2080, v2;
	v3 =	vsel vm13, $0x3080, v3;
	v0 =	vsel vm12, $0x100, v0  }
0xb: {  	v1 =	vsel vm12, $0x1100, v1;
	v2 =	vsel vm12, $0x2100, v2;
	v3 =	vsel vm12, $0x3100, v3  }
0xc: {  	v0 =	vsel vm11, $0x180, v0;
	v1 =	vsel vm11, $0x1180, v1;
	v2 =	vsel vm11, $0x2180, v2  }
0xd: {  	s0 =	rddreg [dreg:$0x0];
	v3 =	vsel vm11, $0x3180, v3;
	v0 =	vsel vm10, $0x200, v0;
	v1 =	vsel vm10, $0x1200, v1  }
0xe: {  	s1 =	srdreg.scid;
	s3 =	stileid.u32;
	v2 =	vsel vm10, $0x2200, v2;
	v3 =	vsel vm10, $0x3200, v3;
	v0 =	vsel vm9, $0x280, v0  }
0xf: {  	s2 =	rddreg [dreg:$0x1];
	s12 =	simm.s32 $0x1;
	s13 =	simm.s32 $0xE400;
	v1 =	vsel vm9, $0x1280, v1;
	v2 =	vsel vm9, $0x2280, v2;
	v3 =	vsel vm9, $0x3280, v3  }
0x10: {  	s14 =	simm.s32 $0xEC00;
	s15 =	simm.s32 $0xF400;
	s16 =	simm.s32 $0xFC00;
	v0 =	vsel vm8, $0x300, v0;
	v1 =	vsel vm8, $0x1300, v1;
	v2 =	vsel vm8, $0x2300, v2  }
0x11: {  	s17 =	simm.s32 $0x10400;
	s18 =	simm.s32 $0x10C00;
	s19 =	simm.s32 $0x11400;
	v3 =	vsel vm8, $0x3300, v3;
	v0 =	vsel vm7, $0x380, v0;
	v1 =	vsel vm7, $0x1380, v1  }
0x12: {  	s20 =	simm.s32 $0x11C00;
	s21 =	simm.s32 $0x2;
	s22 =	simm.s32 $0x12400;
	v2 =	vsel vm7, $0x2380, v2;
	v3 =	vsel vm7, $0x3380, v3;
	v0 =	vsel vm6, $0x800, v0  }
0x13: {  	s23 =	simm.s32 $0x12C00;
	s24 =	simm.s32 $0x13400;
	s25 =	simm.s32 $0x13C00;
	v1 =	vsel vm6, $0x1800, v1;
	v2 =	vsel vm6, $0x2800, v2;
	v3 =	vsel vm6, $0x3800, v3  }
0x14: {  	s28 =	simm.s32 $0x14C00;
	s29 =	simm.s32 $0x15400;
	s30 =	simm.s32 $0x15C00;
	v0 =	vsel vm5, $0x880, v0;
	v1 =	vsel vm5, $0x1880, v1;
	v2 =	vsel vm5, $0x2880, v2  }
0x15: {  	s31 =	simm.s32 $0x3;
	s1 =	sand.u32 $0x1, s1;
	s4 =	sshll.u32 s3, $0x1;
	v3 =	vsel vm5, $0x3880, v3;
	v0 =	vsel vm4, $0x900, v0;
	v1 =	vsel vm4, $0x1900, v1  }
0x16: {  	s3 =	simm.s32 $0x0;
	s5 =	sor.u32 s1, s4;
	s1 =	ssub.s32 $0x2, s1;
	v2 =	vsel vm4, $0x2900, v2;
	v3 =	vsel vm4, $0x3900, v3;
	v0 =	vsel vm3, $0x980, v0  }
0x17: {  	[smem:$0x7FF] =	sst s3;
	s6 =	smul.u32 $0xC80, s5;
	s7 =	sshrl.u32 s1, $0x1;
	v1 =	vsel vm3, $0x1980, v1;
	v2 =	vsel vm3, $0x2980, v2;
	v3 =	vsel vm3, $0x3980, v3  }
0x18: {  	s4 =	sadd.s32 $0x19400, s0;
	_ =	strace $0x80000047;
	s1 =	ssub.s32 s1, s7;
	v0 =	vsel vm2, $0xA00, v0;
	v1 =	vsel vm2, $0x1A00, v1;
	v2 =	vsel vm2, $0x2A00, v2  }
0x19: {  	s5 =	smul.u32 $0xC8, s5;
	s0 =	sadd.s32 s6, s0;
	s26 =	smax.u32 s1, $0x1;
	v3 =	vsel vm2, $0x3A00, v3;
	v0 =	vsel vm1, $0xA80, v0;
	v1 =	vsel vm1, $0x1A80, v1  }
0x1a: {  	s1 =	simm.s32 $0x4;
	s0 =	sadd.s32 $0x400, s0;
	[dreg:$0x4] =	wrdreg s26;
	v2 =	vsel vm1, $0x2A80, v2;
	v3 =	vsel vm1, $0x3A80, v3;
	v0 =	vsel vm0, $0xB00, v0  }
0x1b: {  	s26 =	simm.s32 $0x14400;
	[dreg:$0x3] =	wrdreg s0;
	s0 =	simm.s32 $0x0;
	v1 =	vsel vm0, $0x1B00, v1;
	v2 =	vsel vm0, $0x2B00, v2;
	v3 =	vsel vm0, $0x3B00, v3  }
.LBB2_1:
0x1c: {  	s6 =	rddreg [dreg:$0x3];
	s9 =	simm.s32 $0x5  }
0x1d: {  	[tilespmem:s3], [sflag:$0x5] =	stream.linear.gather [hbm4b:s6+s3], $0x6400, $0x38;
	[tilespmem:$0x16400] =	vst v63  }
0x1e: {  	_ =	swait.ge [sflag:s9], $0x6400  }
0x1f: {  	[sflag:s9] =	ssyncset.done $0x0  }
0x20: {  	s10 =	simm.s32 $0x80;
	s7 =	simm.s32 $0x6400;
	[sflag:s9] =	ssyncadd.s32 $0xFFFF9C00  }
0x21: {  	[tilespmem:s7], [sflag:$0x1] =	stream.indirect.gather [hbm4b:s4+s10], $0x80, s3, s10, $0xb8;
	[tilespmem:$0x16400] =	vst v63  }
0x22: {  	s11 =	simm.s32 $0xA400  }
0x23: {  	[tilespmem:s11], [sflag:$0x2] =	stream.indirect.gather [hbm4b:s4+s10], $0x80, s10, s10, $0xb8;
	[tilespmem:$0x16400] =	vst v63  }
0x24: {  	s10 =	simm.s32 $0x0  }
.LBB2_2:
0x25: {  	_ =	swait.ge [sflag:s12], $0x4000  }
0x26: {  	p0 =	seq.s32 s10, $0x0;
	[sflag:s12] =	ssyncset.done $0x0  }
0x27: {  	s6 =	simm.s32 @!p0 $0x3;
	[sflag:s12] =	ssyncadd.s32 $0xFFFFC000  }
0x28: {  	_ =	swait.ge @!p0 [sflag:s6], $0x2000  }
0x29: {  	[sflag:s6] =	ssyncset.done @!p0 $0x0  }
0x2a: {  	s7 =	simm.s32 $0x6420;
	[sflag:s6] =	ssyncadd.s32 @!p0 $0xFFFFE000;
	s6 =	simm.s32 $0x0  }
0x2b: {  	s11 =	sshll.u32 s10, $0x1;
	s9 =	simm.s32 $0x1;
	v4 =	vld [tilespmem:s7+$0xFFFFFFE0];
	v5 =	vor.u32 s6, v0  }
.LBB2_3:
0x2c: {  	p1 =	sne.s32 s9, $0x7F;
	_ =	sdelay $0x3  }
0x2d: {  	[tilespmem:v5+s13+$0x0] =	vst.idx.msk $0xffff, v4  }
0x2e: {  	v5 =	vor.u32 s6, v1;
	v4 =	vld [tilespmem:s7+$0xFFFFFFF0];
	_ =	sdelay $0x4  }
0x2f: {  	[tilespmem:v5+s13+$0x0] =	vst.idx.msk $0xffff, v4  }
0x30: {  	v5 =	vor.u32 s6, v2;
	v4 =	vld [tilespmem:s7+$0x0];
	_ =	sdelay $0x4  }
0x31: {  	[tilespmem:v5+s13+$0x0] =	vst.idx.msk $0xffff, v4  }
0x32: {  	v5 =	vor.u32 s6, v3;
	s6 =	smov.u32 s9;
	v4 =	vld [tilespmem:s7+$0x10];
	_ =	sdelay $0x1  }
.Ltmp0:
0x33: {  	(pc) =	sbr.rel @p1 .LBB2_3-.Ltmp0, $3  }
0x34: {  	_ =	sdelay $0x1  }
0x35: {  	s7 =	sadd.s32 $0x80, s7;
	[tilespmem:v5+s13+$0x0] =	vst.idx.msk $0xffff, v4  }
0x36: {  	s9 =	sadd.s32 $0x1, s9;
	v5 =	vor.u32 s6, v0;
	v4 =	vld [tilespmem:s7+$0xFFFFFFE0]  }
0x37: {  	_ =	sdelay $0x3  }
0x38: {  	[tilespmem:v5+s13+$0x0] =	vst.idx.msk $0xffff, v4  }
0x39: {  	v5 =	vor.u32 s6, v1;
	v4 =	vld [tilespmem:s7+$0xFFFFFFF0];
	_ =	sdelay $0x4  }
0x3a: {  	[tilespmem:v5+s13+$0x0] =	vst.idx.msk $0xffff, v4  }
0x3b: {  	v5 =	vor.u32 s6, v2;
	v4 =	vld [tilespmem:s7+$0x0];
	_ =	sdelay $0x4  }
0x3c: {  	[tilespmem:v5+s13+$0x0] =	vst.idx.msk $0xffff, v4  }
0x3d: {  	v5 =	vor.u32 s6, v3;
	v4 =	vld [tilespmem:s7+$0x10];
	_ =	sdelay $0x1  }
0x3e: {  	p1 =	seq.s32 s10, $0x63  }
0x3f: {  	s6 =	sshll.u32 @!p1 s10, $0x8  }
0x40: {  	s6 =	sand.u32 @!p1 $0x3FFFFF00, s6  }
0x41: {  	s8 =	simm.s32 @!p1 $0x80;
	s9 =	simm.s32 @!p1 $0x6400;
	s7 =	sadd.s32 @!p1 $0x100, s6;
	[tilespmem:v5+s13+$0x0] =	vst.idx.msk $0xffff, v4  }
0x42: {  	[tilespmem:s9], [sflag:$0x1] =	stream.indirect.gather @!p1 [hbm4b:s4+s8], $0x80, s7, s8, $0xb8;
	[tilespmem:$0x16400] =	vst v63  }
0x43: {  	s8 =	sadd.s32 s5, s11  }
0x44: {  	s9 =	sshll.u32 s8, $0x7  }
0x45: {  	s7 =	sshll.u32 s8, $0xA;
	s8 =	sand.u32 $0xF00, s9  }
0x46: {  	s7 =	sand.u32 $0xFFF8000, s7;
	s8 =	sadd.s32 s2, s8  }
0x47: {  	s7 =	sadd.s32 s7, s8  }
0x48: {  	[hbm4b:s7+s3] =	stream.linear.scatter [tilespmem:s13], [sflag:$0x3], $0x400, $0x38;
	[tilespmem:$0x16400] =	vst v63  }
0x49: {  	s8 =	sadd.s32 $0x1000, s7  }
0x4a: {  	[hbm4b:s8+s3] =	stream.linear.scatter [tilespmem:s14], [sflag:$0x3], $0x400, $0x38;
	[tilespmem:$0x16400] =	vst v63  }
0x4b: {  	s9 =	sadd.s32 $0x2000, s7  }
0x4c: {  	[hbm4b:s9+s3] =	stream.linear.scatter [tilespmem:s15], [sflag:$0x3], $0x400, $0x38;
	[tilespmem:$0x16400] =	vst v63  }
0x4d: {  	s9 =	sadd.s32 $0x3000, s7  }
0x4e: {  	[hbm4b:s9+s3] =	stream.linear.scatter [tilespmem:s16], [sflag:$0x3], $0x400, $0x38;
	[tilespmem:$0x16400] =	vst v63  }
0x4f: {  	s9 =	sadd.s32 $0x4000, s7  }
0x50: {  	[hbm4b:s9+s3] =	stream.linear.scatter [tilespmem:s17], [sflag:$0x3], $0x400, $0x38;
	[tilespmem:$0x16400] =	vst v63  }
0x51: {  	s9 =	sadd.s32 $0x5000, s7  }
0x52: {  	[hbm4b:s9+s3] =	stream.linear.scatter [tilespmem:s18], [sflag:$0x3], $0x400, $0x38;
	[tilespmem:$0x16400] =	vst v63  }
0x53: {  	s9 =	sadd.s32 $0x6000, s7  }
0x54: {  	[hbm4b:s9+s3] =	stream.linear.scatter [tilespmem:s19], [sflag:$0x3], $0x400, $0x38;
	[tilespmem:$0x16400] =	vst v63  }
0x55: {  	s7 =	sadd.s32 $0x7000, s7  }
0x56: {  	[hbm4b:s7+s3] =	stream.linear.scatter [tilespmem:s20], [sflag:$0x3], $0x400, $0x38;
	[tilespmem:$0x16400] =	vst v63  }
0x57: {  	_ =	swait.ge [sflag:s21], $0x4000  }
0x58: {  	[sflag:s21] =	ssyncset.done $0x0  }
0x59: {  	s7 =	simm.s32 @!p0 $0x4;
	[sflag:s21] =	ssyncadd.s32 $0xFFFFC000  }
0x5a: {  	_ =	swait.ge @!p0 [sflag:s7], $0x2000  }
0x5b: {  	[sflag:s7] =	ssyncset.done @!p0 $0x0  }
0x5c: {  	s9 =	simm.s32 $0xA420;
	[sflag:s7] =	ssyncadd.s32 @!p0 $0xFFFFE000;
	s7 =	simm.s32 $0x0  }
0x5d: {  	s11 =	sor.u32 $0x1, s11;
	s8 =	simm.s32 $0x1;
	v4 =	vld [tilespmem:s9+$0xFFFFFFE0];
	v5 =	vor.u32 s7, v0  }
.LBB2_5:
0x5e: {  	p0 =	sne.s32 s8, $0x7F;
	_ =	sdelay $0x3  }
0x5f: {  	[tilespmem:v5+s22+$0x0] =	vst.idx.msk $0xffff, v4  }
0x60: {  	v5 =	vor.u32 s7, v1;
	v4 =	vld [tilespmem:s9+$0xFFFFFFF0];
	_ =	sdelay $0x4  }
0x61: {  	[tilespmem:v5+s22+$0x0] =	vst.idx.msk $0xffff, v4  }
0x62: {  	v5 =	vor.u32 s7, v2;
	v4 =	vld [tilespmem:s9+$0x0];
	_ =	sdelay $0x4  }
0x63: {  	[tilespmem:v5+s22+$0x0] =	vst.idx.msk $0xffff, v4  }
0x64: {  	v5 =	vor.u32 s7, v3;
	s7 =	smov.u32 s8;
	v4 =	vld [tilespmem:s9+$0x10];
	_ =	sdelay $0x1  }
.Ltmp1:
0x65: {  	(pc) =	sbr.rel @p0 .LBB2_5-.Ltmp1, $3  }
0x66: {  	_ =	sdelay $0x1  }
0x67: {  	s9 =	sadd.s32 $0x80, s9;
	[tilespmem:v5+s22+$0x0] =	vst.idx.msk $0xffff, v4  }
0x68: {  	s8 =	sadd.s32 $0x1, s8;
	v5 =	vor.u32 s7, v0;
	v4 =	vld [tilespmem:s9+$0xFFFFFFE0]  }
0x69: {  	_ =	sdelay $0x3  }
0x6a: {  	[tilespmem:v5+s22+$0x0] =	vst.idx.msk $0xffff, v4  }
0x6b: {  	v5 =	vor.u32 s7, v1;
	v4 =	vld [tilespmem:s9+$0xFFFFFFF0];
	_ =	sdelay $0x4  }
0x6c: {  	[tilespmem:v5+s22+$0x0] =	vst.idx.msk $0xffff, v4  }
0x6d: {  	v5 =	vor.u32 s7, v2;
	v4 =	vld [tilespmem:s9+$0x0];
	_ =	sdelay $0x4  }
0x6e: {  	[tilespmem:v5+s22+$0x0] =	vst.idx.msk $0xffff, v4  }
0x6f: {  	v5 =	vor.u32 s7, v3;
	v4 =	vld [tilespmem:s9+$0x10];
	_ =	sdelay $0x4  }
0x70: {  	s6 =	sadd.s32 @!p1 $0x180, s6;
	s8 =	simm.s32 @!p1 $0xA400;
	s7 =	simm.s32 @!p1 $0x80;
	[tilespmem:v5+s22+$0x0] =	vst.idx.msk $0xffff, v4  }
0x71: {  	[tilespmem:s8], [sflag:$0x2] =	stream.indirect.gather @!p1 [hbm4b:s4+s7], $0x80, s6, s7, $0xb8;
	[tilespmem:$0x16400] =	vst v63  }
0x72: {  	s7 =	sadd.s32 s5, s11  }
0x73: {  	s8 =	sshll.u32 s7, $0x7  }
0x74: {  	s6 =	sshll.u32 s7, $0xA;
	s7 =	sand.u32 $0xF80, s8  }
0x75: {  	s6 =	sand.u32 $0xFFF8000, s6;
	s7 =	sadd.s32 s2, s7  }
0x76: {  	s6 =	sadd.s32 s6, s7  }
0x77: {  	[hbm4b:s6+s3] =	stream.linear.scatter [tilespmem:s22], [sflag:$0x4], $0x400, $0x38;
	[tilespmem:$0x16400] =	vst v63  }
0x78: {  	s7 =	sadd.s32 $0x1000, s6  }
0x79: {  	[hbm4b:s7+s3] =	stream.linear.scatter [tilespmem:s23], [sflag:$0x4], $0x400, $0x38;
	[tilespmem:$0x16400] =	vst v63  }
0x7a: {  	s9 =	sadd.s32 $0x2000, s6  }
0x7b: {  	[hbm4b:s9+s3] =	stream.linear.scatter [tilespmem:s24], [sflag:$0x4], $0x400, $0x38;
	[tilespmem:$0x16400] =	vst v63  }
0x7c: {  	s11 =	sadd.s32 $0x3000, s6  }
0x7d: {  	[hbm4b:s11+s3] =	stream.linear.scatter [tilespmem:s25], [sflag:$0x4], $0x400, $0x38;
	[tilespmem:$0x16400] =	vst v63  }
0x7e: {  	s10 =	sadd.s32 $0x1, s10;
	s8 =	sadd.s32 $0x4000, s6  }
0x7f: {  	[hbm4b:s8+s3] =	stream.linear.scatter [tilespmem:s26], [sflag:$0x4], $0x400, $0x38;
	[tilespmem:$0x16400] =	vst v63  }
0x80: {  	p0 =	sne.s32 s10, $0x64;
	s9 =	sadd.s32 $0x5000, s6  }
0x81: {  	[hbm4b:s9+s3] =	stream.linear.scatter [tilespmem:s28], [sflag:$0x4], $0x400, $0x38;
	[tilespmem:$0x16400] =	vst v63  }
.Ltmp2:
0x82: {  	_ = 	snop;
	(pc) =	sbr.rel @p0 .LBB2_2-.Ltmp2, $4  }
0x83: {  	s11 =	sadd.s32 $0x6000, s6  }
0x84: {  	[hbm4b:s11+s3] =	stream.linear.scatter [tilespmem:s29], [sflag:$0x4], $0x400, $0x38;
	[tilespmem:$0x16400] =	vst v63  }
0x85: {  	s6 =	sadd.s32 $0x7000, s6  }
0x86: {  	[hbm4b:s6+s3] =	stream.linear.scatter [tilespmem:s30], [sflag:$0x4], $0x400, $0x38;
	[tilespmem:$0x16400] =	vst v63  }
0x87: {  	_ =	swait.ge [sflag:s31], $0x2000  }
0x88: {  	[sflag:s31] =	ssyncset.done $0x0  }
0x89: {  	[sflag:s31] =	ssyncadd.s32 $0xFFFFE000  }
0x8a: {  	_ =	swait.ge [sflag:s1], $0x2000  }
0x8b: {  	s0 =	sadd.s32 $0x1, s0;
	s6 =	rddreg [dreg:$0x4]  }
0x8c: {  	p0 =	sne.s32 s0, s6  }
.Ltmp3:
0x8d: {  	_ = 	snop;
	(pc) =	sbr.rel @p0 .LBB2_1-.Ltmp3, $3  }
0x8e: {  	_ =	sdelay $0x1  }
0x8f: {  	[sflag:s1] =	ssyncset.done $0x0  }
0x90: {  	[sflag:s1] =	ssyncadd.s32 $0xFFFFE000  }
0x91: {  	_ =	sfence.sel $0x180000  }
0x92: {  	[bflag:$0x0] =	sbarrier.arrive $0xFFFF  }
0x93: {  	_ =	strace $0x90000047  }
0x94: {  	s0 =	stileid.u32;
	[bflag:$0x2] =	sbarrier.arrive $0xFFFF  }
0x95: {  	p0 =	sne.s32 s0, $0x0;
	s0 =	rddreg [dreg:$0x2]  }
0x96: {  	s0 =	sadd.s32 @!p0 $0x100000, s0  }
0x97: {  	[sflag:s0] =	ssyncadd.tile.s32 @!p0 $0x1;
	_ =	shalt  }
.Lfunc_end2:
_tile_overlayer_lowered:
.L_overlay_start_2:
0x98: {  	(tag) =	ssettag $0x2  }
0x99: {  	s0 =	rddreg [dreg:$0x0];
	s2 =	stileid.u32  }
0x9a: {  	s1 =	rddreg [dreg:$0x1];
	p0 =	sne.s32 s2, $0x0  }
0x9b: {  	s3 =	rddreg [dreg:$0x2];
	[bflag:$0x3] =	sbarrier.arrive $0xFFFF;
	s2 =	simm.s32 @!p0 $0x1C05  }
0x9c: {  	[timem:s3], [sflag:s2] =	dma.local @!p0 [hbm:s0], s1  }
0x9d: {  	s0 =	simm.s32 @!p0 $0x5  }
0x9e: {  	_ =	swait.ge @!p0 [sflag:s0], s1  }
0x9f: {  	s1 =	ssub.s32 @!p0 $0x0, s1;
	[sflag:s0] =	ssyncset.done @!p0 $0x0  }
0xa0: {  	[sflag:s0] =	ssyncadd.s32 @!p0 s1  }
0xa1: {  	[bflag:$0x3] =	sbarrier.arrive $0xFFFF  }
0xa2: {  	_ =	shalt  }

</sc_bundles>
